<compile_context>
chip_gen: v7x
topology: tpu7x:2x2x1
jax: 0.10.2.dev20260603
libtpu: 0.0.44.dev20260713+nightly
codegen_flags: <defaults>
</compile_context>

<pallas_src>
import jax
import jax.numpy as jnp
from jax.experimental import pallas as pl

_SA = [
    (1024, 0.05, 16),
    (512, 0.1, 16),
    (256, 0.2, 16),
    (128, 0.4, 16),
]


_INTERPRET = False


def _fps_body(x_ref, idx_ref, nx_ref, ny_ref, nz_ref, *, npoint, n):
    xs = x_ref[:, 0, :]
    ys = x_ref[:, 1, :]
    zs = x_ref[:, 2, :]
    b = xs.shape[0]
    iota = jax.lax.broadcasted_iota(jnp.int32, (b, n), 1)
    lane128 = jax.lax.broadcasted_iota(jnp.int32, (b, 128), 1)

    def body(j, carry):
        dist, far, pi, px, py, pz = carry
        sel = iota == far
        cx = jnp.sum(jnp.where(sel, xs, 0.0), axis=1, keepdims=True)
        cy = jnp.sum(jnp.where(sel, ys, 0.0), axis=1, keepdims=True)
        cz = jnp.sum(jnp.where(sel, zs, 0.0), axis=1, keepdims=True)
        lane = lane128 == j
        pi = jnp.where(lane, far, pi)
        px = jnp.where(lane, cx, px)
        py = jnp.where(lane, cy, py)
        pz = jnp.where(lane, cz, pz)
        d = (xs - cx) ** 2 + (ys - cy) ** 2 + (zs - cz) ** 2
        dist = jnp.minimum(dist, d)
        m = jnp.max(dist, axis=1, keepdims=True)
        far2 = jnp.min(jnp.where(dist == m, iota, n), axis=1, keepdims=True)
        return dist, far2, pi, px, py, pz

    dist = jnp.full((b, n), 1e10, jnp.float32)
    far = jnp.zeros((b, 1), jnp.int32)
    p0 = idx_ref[:, 0:128]
    q0 = nx_ref[:, 0:128]
    for blk in range(npoint // 128):
        dist, far, pi, px, py, pz = jax.lax.fori_loop(
            0, 128, body, (dist, far, p0, q0, q0, q0))
        sl = pl.ds(blk * 128, 128)
        idx_ref[:, sl] = pi
        nx_ref[:, sl] = px
        ny_ref[:, sl] = py
        nz_ref[:, sl] = pz


def _fps_pallas(xyz, npoint):
    B, _, N = xyz.shape
    import functools
    fn = functools.partial(_fps_body, npoint=npoint, n=N)
    idx, nx, ny, nz = pl.pallas_call(
        fn,
        out_shape=[
            jax.ShapeDtypeStruct((B, npoint), jnp.int32),
            jax.ShapeDtypeStruct((B, npoint), jnp.float32),
            jax.ShapeDtypeStruct((B, npoint), jnp.float32),
            jax.ShapeDtypeStruct((B, npoint), jnp.float32),
        ],
        interpret=_INTERPRET,
    )(xyz)
    new_xyz = jnp.stack([nx, ny, nz], axis=-1)
    return idx, new_xyz


def _sqdist(src, dst):
    d = -2.0 * jnp.matmul(src, dst.transpose(0, 2, 1))
    d = d + jnp.sum(src ** 2, -1)[:, :, None]
    d = d + jnp.sum(dst ** 2, -1)[:, None, :]
    return d


def _index_points(points, idx):
    return jax.vmap(lambda p, i: p[i])(points, idx)


def _fps(xyz, npoint):
    B, N, _ = xyz.shape

    def body(i, state):
        centroids, distance, farthest = state
        centroids = centroids.at[:, i].set(farthest)
        centroid = jnp.take_along_axis(xyz, farthest[:, None, None], axis=1)
        dist = jnp.sum((xyz - centroid) ** 2, -1)
        distance = jnp.minimum(distance, dist)
        farthest = jnp.argmax(distance, axis=-1).astype(jnp.int32)
        return centroids, distance, farthest

    centroids = jnp.zeros((B, npoint), dtype=jnp.int32)
    distance = jnp.full((B, N), 1e10, dtype=jnp.float32)
    farthest = jnp.zeros((B,), dtype=jnp.int32)
    centroids, _, _ = jax.lax.fori_loop(0, npoint, body, (centroids, distance, farthest))
    return centroids


def _ball(radius, nsample, xyz, new_xyz):
    B, N, _ = xyz.shape
    S = new_xyz.shape[1]
    sqrdists = _sqdist(new_xyz, xyz)
    group_idx = jnp.broadcast_to(jnp.arange(N, dtype=jnp.int32), (B, S, N))
    group_idx = jnp.where(sqrdists > radius ** 2, N, group_idx)
    group_idx = jnp.sort(group_idx, axis=-1)[:, :, :nsample]
    group_first = jnp.broadcast_to(group_idx[:, :, :1], group_idx.shape)
    group_idx = jnp.where(group_idx == N, group_first, group_idx)
    return group_idx


def _bn(x):
    axes = (0,) + tuple(range(2, x.ndim))
    m = jnp.mean(x, axis=axes, keepdims=True)
    v = jnp.var(x, axis=axes, keepdims=True)
    return (x - m) * jax.lax.rsqrt(v + 1e-5)


def _sa(xyz, points, params, npoint, radius, nsample):
    xyz_t = xyz.transpose(0, 2, 1)
    points_t = points.transpose(0, 2, 1)
    fps_idx, new_xyz = _fps_pallas(xyz, npoint)
    idx = _ball(radius, nsample, xyz_t, new_xyz)
    grouped_xyz = _index_points(xyz_t, idx)
    grouped_xyz_norm = grouped_xyz - new_xyz[:, :, None, :]
    grouped_points = _index_points(points_t, idx)
    new_points = jnp.concatenate([grouped_xyz_norm, grouped_points], axis=-1)
    x = new_points.transpose(0, 3, 2, 1)
    for w, b in params:
        x = jnp.einsum('bcks,oc->boks', x, w) + b[None, :, None, None]
        x = jax.nn.relu(_bn(x))
    new_points_out = jnp.max(x, axis=2)
    return new_xyz.transpose(0, 2, 1), new_points_out


def _fp(xyz1, xyz2, points1, points2, params):
    xyz1_t = xyz1.transpose(0, 2, 1)
    xyz2_t = xyz2.transpose(0, 2, 1)
    points2_t = points2.transpose(0, 2, 1)
    dists = _sqdist(xyz1_t, xyz2_t)
    neg_d, idx = jax.lax.top_k(-dists, 3)
    d3 = -neg_d
    dist_recip = 1.0 / (d3 + 1e-8)
    norm = jnp.sum(dist_recip, axis=2, keepdims=True)
    weight = dist_recip / norm
    interpolated = jnp.sum(_index_points(points2_t, idx) * weight[..., None], axis=2)
    new_points = jnp.concatenate([points1.transpose(0, 2, 1), interpolated], axis=-1)
    x = new_points.transpose(0, 2, 1)
    for w, b in params:
        x = jnp.einsum('bcn,oc->bon', x, w) + b[None, :, None]
        x = jax.nn.relu(_bn(x))
    return x


def _ident_kernel(x_ref, o_ref):
    o_ref[...] = x_ref[...]


def kernel(xyz, sa1_params, sa2_params, sa3_params, sa4_params, fp4_params, fp3_params, fp2_params, fp1_params):
    l0_xyz = xyz
    l0_points = xyz
    l1_xyz, l1_points = _sa(l0_xyz, l0_points, sa1_params, *_SA[0])
    l2_xyz, l2_points = _sa(l1_xyz, l1_points, sa2_params, *_SA[1])
    l3_xyz, l3_points = _sa(l2_xyz, l2_points, sa3_params, *_SA[2])
    l4_xyz, l4_points = _sa(l3_xyz, l3_points, sa4_params, *_SA[3])
    l3_points = _fp(l3_xyz, l4_xyz, l3_points, l4_points, fp4_params)
    l2_points = _fp(l2_xyz, l3_xyz, l2_points, l3_points, fp3_params)
    l1_points = _fp(l1_xyz, l2_xyz, l1_points, l2_points, fp2_params)
    l0_points = _fp(l0_xyz, l1_xyz, l0_points, l1_points, fp1_params)
    out = pl.pallas_call(
        _ident_kernel,
        out_shape=jax.ShapeDtypeStruct(l0_points.shape, l0_points.dtype),
    )(l0_points)
    return out

# --- scband reference (transcript-rebuilt; emitter-appended) ---
"""Pipeline reference for scband-point-net2-feature-extractor-67929202753733 (READ-ONLY COPY).

The authoritative reference and input builder live on the scoring server;
editing this copy changes nothing except your own understanding.
"""

import jax, jax.numpy as jnp
import numpy as np

BATCH = 8
N_POINTS = 2048

SA_SPECS = [
    (1024, 0.05, 16, 3, [512, 256, 256]),
    (512, 0.1, 16, 256, [256, 128, 64]),
    (256, 0.2, 16, 64, [64, 128, 256]),
    (128, 0.4, 16, 256, [256, 256, 512]),
]
FP_SPECS = [(768, [256, 256]), (320, [256, 256]), (512, [256, 128]), (131, [128, 128])]


def square_distance(src, dst):
    d = -2.0 * jnp.matmul(src, dst.transpose(0, 2, 1))
    d = d + jnp.sum(src ** 2, -1)[:, :, None]
    d = d + jnp.sum(dst ** 2, -1)[:, None, :]
    return d


def index_points(points, idx):
    return jax.vmap(lambda p, i: p[i])(points, idx)


def farthest_point_sample(xyz, npoint):
    B, N, _ = xyz.shape

    def body(i, state):
        centroids, distance, farthest = state
        centroids = centroids.at[:, i].set(farthest)
        centroid = jnp.take_along_axis(xyz, farthest[:, None, None], axis=1)
        dist = jnp.sum((xyz - centroid) ** 2, -1)
        distance = jnp.minimum(distance, dist)
        farthest = jnp.argmax(distance, axis=-1).astype(jnp.int32)
        return centroids, distance, farthest

    centroids = jnp.zeros((B, npoint), dtype=jnp.int32)
    distance = jnp.full((B, N), 1e10, dtype=jnp.float32)
    farthest = jnp.zeros((B,), dtype=jnp.int32)
    centroids, _, _ = jax.lax.fori_loop(0, npoint, body, (centroids, distance, farthest))
    return centroids


def query_ball_point(radius, nsample, xyz, new_xyz):
    B, N, _ = xyz.shape
    S = new_xyz.shape[1]
    sqrdists = square_distance(new_xyz, xyz)
    group_idx = jnp.broadcast_to(jnp.arange(N, dtype=jnp.int32), (B, S, N))
    group_idx = jnp.where(sqrdists > radius ** 2, N, group_idx)
    group_idx = jnp.sort(group_idx, axis=-1)[:, :, :nsample]
    group_first = jnp.broadcast_to(group_idx[:, :, :1], group_idx.shape)
    group_idx = jnp.where(group_idx == N, group_first, group_idx)
    return group_idx


def batch_norm(x):
    axes = (0,) + tuple(range(2, x.ndim))
    m = jnp.mean(x, axis=axes, keepdims=True)
    v = jnp.var(x, axis=axes, keepdims=True)
    return (x - m) * jax.lax.rsqrt(v + 1e-5)


def sa_forward(xyz, points, params, npoint, radius, nsample):
    xyz_t = xyz.transpose(0, 2, 1)
    points_t = points.transpose(0, 2, 1)
    fps_idx = farthest_point_sample(xyz_t, npoint)
    new_xyz = index_points(xyz_t, fps_idx)
    idx = query_ball_point(radius, nsample, xyz_t, new_xyz)
    grouped_xyz = index_points(xyz_t, idx)
    grouped_xyz_norm = grouped_xyz - new_xyz[:, :, None, :]
    grouped_points = index_points(points_t, idx)
    new_points = jnp.concatenate([grouped_xyz_norm, grouped_points], axis=-1)
    x = new_points.transpose(0, 3, 2, 1)
    for w, b in params:
        x = jnp.einsum('bcks,oc->boks', x, w) + b[None, :, None, None]
        x = jax.nn.relu(batch_norm(x))
    new_points_out = jnp.max(x, axis=2)
    return new_xyz.transpose(0, 2, 1), new_points_out


def fp_forward(xyz1, xyz2, points1, points2, params):
    xyz1_t = xyz1.transpose(0, 2, 1)
    xyz2_t = xyz2.transpose(0, 2, 1)
    points2_t = points2.transpose(0, 2, 1)
    dists = square_distance(xyz1_t, xyz2_t)
    neg_d, idx = jax.lax.top_k(-dists, 3)
    d3 = -neg_d
    dist_recip = 1.0 / (d3 + 1e-8)
    norm = jnp.sum(dist_recip, axis=2, keepdims=True)
    weight = dist_recip / norm
    interpolated = jnp.sum(index_points(points2_t, idx) * weight[..., None], axis=2)
    new_points = jnp.concatenate([points1.transpose(0, 2, 1), interpolated], axis=-1)
    x = new_points.transpose(0, 2, 1)
    for w, b in params:
        x = jnp.einsum('bcn,oc->bon', x, w) + b[None, :, None]
        x = jax.nn.relu(batch_norm(x))
    return x


def _forward(xyz, sa1_params, sa2_params, sa3_params, sa4_params, fp4_params, fp3_params, fp2_params, fp1_params):
    l0_xyz = xyz
    l0_points = xyz
    l1_xyz, l1_points = sa_forward(l0_xyz, l0_points, sa1_params, *SA_SPECS[0][:3])
    l2_xyz, l2_points = sa_forward(l1_xyz, l1_points, sa2_params, *SA_SPECS[1][:3])
    l3_xyz, l3_points = sa_forward(l2_xyz, l2_points, sa3_params, *SA_SPECS[2][:3])
    l4_xyz, l4_points = sa_forward(l3_xyz, l3_points, sa4_params, *SA_SPECS[3][:3])
    l3_points = fp_forward(l3_xyz, l4_xyz, l3_points, l4_points, fp4_params)
    l2_points = fp_forward(l2_xyz, l3_xyz, l2_points, l3_points, fp3_params)
    l1_points = fp_forward(l1_xyz, l2_xyz, l1_points, l2_points, fp2_params)
    l0_points = fp_forward(l0_xyz, l1_xyz, l0_points, l1_points, fp1_params)
    return l0_points


def _make_mlp_params(key, in_ch, mlp):
    params = []
    last = in_ch
    for i, out in enumerate(mlp):
        kw = jax.random.fold_in(key, i)
        w = jax.random.normal(kw, (out, last), dtype=jnp.float32) * (1.0 / np.sqrt(last))
        b = jnp.zeros((out,), dtype=jnp.float32)
        params.append((w, b))
        last = out
    return params


def setup_inputs(seed: int = 0):
    key = jax.random.key(seed)
    inp = {'xyz': jax.random.normal(jax.random.fold_in(key, 100), (BATCH, 3, N_POINTS), dtype=jnp.float32)}
    for i, spec in enumerate(SA_SPECS):
        inp['sa%d_params' % (i + 1)] = _make_mlp_params(jax.random.fold_in(key, 10 + i), spec[3] + 3, spec[4])
    for i, spec in enumerate(FP_SPECS):
        inp['fp%d_params' % (4 - i)] = _make_mlp_params(jax.random.fold_in(key, 20 + i), spec[0], spec[1])
    return inp


def reference(xyz, sa1_params, sa2_params, sa3_params, sa4_params, fp4_params, fp3_params, fp2_params, fp1_params):
    return _forward(xyz, sa1_params, sa2_params, sa3_params, sa4_params, fp4_params, fp3_params, fp2_params, fp1_params)

if __name__ == "__main__":
    import jax
    _d = setup_inputs()
    print(jax.jit(kernel)(*tuple(_d.values())))

</pallas_src>

<mosaic_0001>
module attributes {stable_mosaic.version = 14 : i64} {
  func.func @_fps_body(%arg0: memref<8x3x2048xf32, #tpu.memory_space<vmem>>, %arg1: memref<8x1024xi32, #tpu.memory_space<vmem>>, %arg2: memref<8x1024xf32, #tpu.memory_space<vmem>>, %arg3: memref<8x1024xf32, #tpu.memory_space<vmem>>, %arg4: memref<8x1024xf32, #tpu.memory_space<vmem>>) attributes {dimension_semantics = [], scalar_prefetch = 0 : i64, scratch_operands = 0 : i64, tpu.core_type = #tpu.core_type<tc>} {
    %get3A = arith.constant 0 : index
    %get3A_0 = arith.constant 0 : index
    %get3A_1 = arith.constant 0 : index
    %get3A_2 = vector.load %arg0[%get3A, %get3A_0, %get3A_1] : memref<8x3x2048xf32, #tpu.memory_space<vmem>>, vector<8x1x2048xf32>
    %get3A_3 = vector.shape_cast %get3A_2 : vector<8x1x2048xf32> to vector<8x2048xf32>
    %get3A_4 = arith.constant 0 : index
    %get3A_5 = arith.constant 1 : index
    %get3A_6 = arith.constant 0 : index
    %get3A_7 = vector.load %arg0[%get3A_4, %get3A_5, %get3A_6] : memref<8x3x2048xf32, #tpu.memory_space<vmem>>, vector<8x1x2048xf32>
    %get3A_8 = vector.shape_cast %get3A_7 : vector<8x1x2048xf32> to vector<8x2048xf32>
    %get3A_9 = arith.constant 0 : index
    %get3A_10 = arith.constant 2 : index
    %get3A_11 = arith.constant 0 : index
    %get3A_12 = vector.load %arg0[%get3A_9, %get3A_10, %get3A_11] : memref<8x3x2048xf32, #tpu.memory_space<vmem>>, vector<8x1x2048xf32>
    %get3A_13 = vector.shape_cast %get3A_12 : vector<8x1x2048xf32> to vector<8x2048xf32>
    %iota3A = tpu.iota {dimensions = array<i32: 1>} : vector<8x2048xi32>
    %iota3A_14 = tpu.iota {dimensions = array<i32: 1>} : vector<8x128xi32>
    %broadcast_in_dim3A = arith.constant 1.000000e+10 : f32
    %broadcast_in_dim3A_15 = vector.broadcast %broadcast_in_dim3A : f32 to vector<8x2048xf32>
    %broadcast_in_dim3A_16 = arith.constant 0 : i32
    %broadcast_in_dim3A_17 = vector.broadcast %broadcast_in_dim3A_16 : i32 to vector<8x1xi32>
    %get3A_18 = arith.constant 0 : index
    %get3A_19 = arith.constant 0 : index
    %get3A_20 = vector.load %arg1[%get3A_18, %get3A_19] : memref<8x1024xi32, #tpu.memory_space<vmem>>, vector<8x128xi32>
    %get3A_21 = arith.constant 0 : index
    %get3A_22 = arith.constant 0 : index
    %get3A_23 = vector.load %arg2[%get3A_21, %get3A_22] : memref<8x1024xf32, #tpu.memory_space<vmem>>, vector<8x128xf32>
    %scan3A = arith.constant 0 : i32
    %scan3A_24 = arith.constant 128 : i32
    %scan3A_25 = arith.addi %scan3A, %scan3A_24 : i32
    %scan3A_26 = arith.constant 1 : i32
    %scan3A_27:6 = scf.for %scan3A_166 = %scan3A to %scan3A_25 step %scan3A_26 iter_args(%scan3A_167 = %broadcast_in_dim3A_15, %scan3A_168 = %broadcast_in_dim3A_17, %scan3A_169 = %get3A_20, %scan3A_170 = %get3A_23, %scan3A_171 = %get3A_23, %scan3A_172 = %get3A_23) -> (vector<8x2048xf32>, vector<8x1xi32>, vector<8x128xi32>, vector<8x128xf32>, vector<8x128xf32>, vector<8x128xf32>)  : i32 {
      %eq3A = vector.broadcast %scan3A_168 : vector<8x1xi32> to vector<8x2048xi32>
      %eq3A_173 = arith.cmpi eq, %iota3A, %eq3A : vector<8x2048xi32>
      %jit3A = arith.constant 0.000000e+00 : f32
      %broadcast_in_dim3A_174 = vector.broadcast %jit3A : f32 to vector<8x2048xf32>
      %select_n3A = arith.select %eq3A_173, %get3A_3, %broadcast_in_dim3A_174 : vector<8x2048xi1>, vector<8x2048xf32>
      %reduce_sum3A = arith.constant dense<0.000000e+00> : vector<8xf32>
      %reduce_sum3A_175 = vector.multi_reduction <add>, %select_n3A, %reduce_sum3A [1] : vector<8x2048xf32> to vector<8xf32>
      %broadcast_in_dim3A_176 = vector.shape_cast %reduce_sum3A_175 : vector<8xf32> to vector<8x1xf32>
      %jit3A_177 = arith.constant 0.000000e+00 : f32
      %broadcast_in_dim3A_178 = vector.broadcast %jit3A_177 : f32 to vector<8x2048xf32>
      %select_n3A_179 = arith.select %eq3A_173, %get3A_8, %broadcast_in_dim3A_178 : vector<8x2048xi1>, vector<8x2048xf32>
      %reduce_sum3A_180 = arith.constant dense<0.000000e+00> : vector<8xf32>
      %reduce_sum3A_181 = vector.multi_reduction <add>, %select_n3A_179, %reduce_sum3A_180 [1] : vector<8x2048xf32> to vector<8xf32>
      %broadcast_in_dim3A_182 = vector.shape_cast %reduce_sum3A_181 : vector<8xf32> to vector<8x1xf32>
      %jit3A_183 = arith.constant 0.000000e+00 : f32
      %broadcast_in_dim3A_184 = vector.broadcast %jit3A_183 : f32 to vector<8x2048xf32>
      %select_n3A_185 = arith.select %eq3A_173, %get3A_13, %broadcast_in_dim3A_184 : vector<8x2048xi1>, vector<8x2048xf32>
      %reduce_sum3A_186 = arith.constant dense<0.000000e+00> : vector<8xf32>
      %reduce_sum3A_187 = vector.multi_reduction <add>, %select_n3A_185, %reduce_sum3A_186 [1] : vector<8x2048xf32> to vector<8xf32>
      %broadcast_in_dim3A_188 = vector.shape_cast %reduce_sum3A_187 : vector<8xf32> to vector<8x1xf32>
      %eq3A_189 = vector.broadcast %scan3A_166 : i32 to vector<8x128xi32>
      %eq3A_190 = arith.cmpi eq, %iota3A_14, %eq3A_189 : vector<8x128xi32>
      %broadcast_in_dim3A_191 = vector.shape_cast %scan3A_168 : vector<8x1xi32> to vector<8x1xi32>
      %broadcast_in_dim3A_192 = vector.broadcast %broadcast_in_dim3A_191 : vector<8x1xi32> to vector<8x128xi32>
      %select_n3A_193 = arith.select %eq3A_190, %broadcast_in_dim3A_192, %scan3A_169 : vector<8x128xi1>, vector<8x128xi32>
      %broadcast_in_dim3A_194 = vector.shape_cast %broadcast_in_dim3A_176 : vector<8x1xf32> to vector<8x1xf32>
      %broadcast_in_dim3A_195 = vector.broadcast %broadcast_in_dim3A_194 : vector<8x1xf32> to vector<8x128xf32>
      %select_n3A_196 = arith.select %eq3A_190, %broadcast_in_dim3A_195, %scan3A_170 : vector<8x128xi1>, vector<8x128xf32>
      %broadcast_in_dim3A_197 = vector.shape_cast %broadcast_in_dim3A_182 : vector<8x1xf32> to vector<8x1xf32>
      %broadcast_in_dim3A_198 = vector.broadcast %broadcast_in_dim3A_197 : vector<8x1xf32> to vector<8x128xf32>
      %select_n3A_199 = arith.select %eq3A_190, %broadcast_in_dim3A_198, %scan3A_171 : vector<8x128xi1>, vector<8x128xf32>
      %broadcast_in_dim3A_200 = vector.shape_cast %broadcast_in_dim3A_188 : vector<8x1xf32> to vector<8x1xf32>
      %broadcast_in_dim3A_201 = vector.broadcast %broadcast_in_dim3A_200 : vector<8x1xf32> to vector<8x128xf32>
      %select_n3A_202 = arith.select %eq3A_190, %broadcast_in_dim3A_201, %scan3A_172 : vector<8x128xi1>, vector<8x128xf32>
      %sub3A = vector.broadcast %broadcast_in_dim3A_176 : vector<8x1xf32> to vector<8x2048xf32>
      %sub3A_203 = arith.subf %get3A_3, %sub3A : vector<8x2048xf32>
      %integer_pow3A = arith.mulf %sub3A_203, %sub3A_203 : vector<8x2048xf32>
      %sub3A_204 = vector.broadcast %broadcast_in_dim3A_182 : vector<8x1xf32> to vector<8x2048xf32>
      %sub3A_205 = arith.subf %get3A_8, %sub3A_204 : vector<8x2048xf32>
      %integer_pow3A_206 = arith.mulf %sub3A_205, %sub3A_205 : vector<8x2048xf32>
      %add3A = arith.addf %integer_pow3A, %integer_pow3A_206 : vector<8x2048xf32>
      %sub3A_207 = vector.broadcast %broadcast_in_dim3A_188 : vector<8x1xf32> to vector<8x2048xf32>
      %sub3A_208 = arith.subf %get3A_13, %sub3A_207 : vector<8x2048xf32>
      %integer_pow3A_209 = arith.mulf %sub3A_208, %sub3A_208 : vector<8x2048xf32>
      %add3A_210 = arith.addf %add3A, %integer_pow3A_209 : vector<8x2048xf32>
      %min3A = arith.minimumf %scan3A_167, %add3A_210 : vector<8x2048xf32>
      %reduce_max3A = arith.constant dense<0xFF800000> : vector<8xf32>
      %reduce_max3A_211 = vector.multi_reduction <maximumf>, %min3A, %reduce_max3A [1] : vector<8x2048xf32> to vector<8xf32>
      %broadcast_in_dim3A_212 = vector.shape_cast %reduce_max3A_211 : vector<8xf32> to vector<8x1xf32>
      %eq3A_213 = vector.broadcast %broadcast_in_dim3A_212 : vector<8x1xf32> to vector<8x2048xf32>
      %eq3A_214 = arith.cmpf oeq, %min3A, %eq3A_213 : vector<8x2048xf32>
      %jit3A_215 = arith.constant 2048 : i32
      %broadcast_in_dim3A_216 = vector.broadcast %jit3A_215 : i32 to vector<8x2048xi32>
      %select_n3A_217 = arith.select %eq3A_214, %iota3A, %broadcast_in_dim3A_216 : vector<8x2048xi1>, vector<8x2048xi32>
      %reduce_min3A = arith.constant dense<2147483647> : vector<8xi32>
      %reduce_min3A_218 = vector.multi_reduction <minsi>, %select_n3A_217, %reduce_min3A [1] : vector<8x2048xi32> to vector<8xi32>
      %broadcast_in_dim3A_219 = vector.shape_cast %reduce_min3A_218 : vector<8xi32> to vector<8x1xi32>
      scf.yield %min3A, %broadcast_in_dim3A_219, %select_n3A_193, %select_n3A_196, %select_n3A_199, %select_n3A_202 : vector<8x2048xf32>, vector<8x1xi32>, vector<8x128xi32>, vector<8x128xf32>, vector<8x128xf32>, vector<8x128xf32>
    }
    %scan3A_28 = arith.constant 128 : i32
    %swap3A = arith.constant 0 : index
    %swap3A_29 = arith.constant 0 : index
    %swap3A_30 = vector.load %arg1[%swap3A, %swap3A_29] : memref<8x1024xi32, #tpu.memory_space<vmem>>, vector<8x128xi32>
    tpu.vector_store %arg1[%swap3A, %swap3A_29], %scan3A_27#2 {strides = array<i32>} : memref<8x1024xi32, #tpu.memory_space<vmem>>, vector<8x128xi32>,
    %swap3A_31 = arith.constant 0 : index
    %swap3A_32 = arith.constant 0 : index
    %swap3A_33 = vector.load %arg2[%swap3A_31, %swap3A_32] : memref<8x1024xf32, #tpu.memory_space<vmem>>, vector<8x128xf32>
    tpu.vector_store %arg2[%swap3A_31, %swap3A_32], %scan3A_27#3 {strides = array<i32>} : memref<8x1024xf32, #tpu.memory_space<vmem>>, vector<8x128xf32>,
    %swap3A_34 = arith.constant 0 : index
    %swap3A_35 = arith.constant 0 : index
    %swap3A_36 = vector.load %arg3[%swap3A_34, %swap3A_35] : memref<8x1024xf32, #tpu.memory_space<vmem>>, vector<8x128xf32>
    tpu.vector_store %arg3[%swap3A_34, %swap3A_35], %scan3A_27#4 {strides = array<i32>} : memref<8x1024xf32, #tpu.memory_space<vmem>>, vector<8x128xf32>,
    %swap3A_37 = arith.constant 0 : index
    %swap3A_38 = arith.constant 0 : index
    %swap3A_39 = vector.load %arg4[%swap3A_37, %swap3A_38] : memref<8x1024xf32, #tpu.memory_space<vmem>>, vector<8x128xf32>
    tpu.vector_store %arg4[%swap3A_37, %swap3A_38], %scan3A_27#5 {strides = array<i32>} : memref<8x1024xf32, #tpu.memory_space<vmem>>, vector<8x128xf32>,
    %scan3A_40 = arith.constant 0 : i32
    %scan3A_41 = arith.constant 128 : i32
    %scan3A_42 = arith.addi %scan3A_40, %scan3A_41 : i32
    %scan3A_43 = arith.constant 1 : i32
    %scan3A_44:6 = scf.for %scan3A_166 = %scan3A_40 to %scan3A_42 step %scan3A_43 iter_args(%scan3A_167 = %scan3A_27#0, %scan3A_168 = %scan3A_27#1, %scan3A_169 = %get3A_20, %scan3A_170 = %get3A_23, %scan3A_171 = %get3A_23, %scan3A_172 = %get3A_23) -> (vector<8x2048xf32>, vector<8x1xi32>, vector<8x128xi32>, vector<8x128xf32>, vector<8x128xf32>, vector<8x128xf32>)  : i32 {
      %eq3A = vector.broadcast %scan3A_168 : vector<8x1xi32> to vector<8x2048xi32>
      %eq3A_173 = arith.cmpi eq, %iota3A, %eq3A : vector<8x2048xi32>
      %jit3A = arith.constant 0.000000e+00 : f32
      %broadcast_in_dim3A_174 = vector.broadcast %jit3A : f32 to vector<8x2048xf32>
      %select_n3A = arith.select %eq3A_173, %get3A_3, %broadcast_in_dim3A_174 : vector<8x2048xi1>, vector<8x2048xf32>
      %reduce_sum3A = arith.constant dense<0.000000e+00> : vector<8xf32>
      %reduce_sum3A_175 = vector.multi_reduction <add>, %select_n3A, %reduce_sum3A [1] : vector<8x2048xf32> to vector<8xf32>
      %broadcast_in_dim3A_176 = vector.shape_cast %reduce_sum3A_175 : vector<8xf32> to vector<8x1xf32>
      %jit3A_177 = arith.constant 0.000000e+00 : f32
      %broadcast_in_dim3A_178 = vector.broadcast %jit3A_177 : f32 to vector<8x2048xf32>
      %select_n3A_179 = arith.select %eq3A_173, %get3A_8, %broadcast_in_dim3A_178 : vector<8x2048xi1>, vector<8x2048xf32>
      %reduce_sum3A_180 = arith.constant dense<0.000000e+00> : vector<8xf32>
      %reduce_sum3A_181 = vector.multi_reduction <add>, %select_n3A_179, %reduce_sum3A_180 [1] : vector<8x2048xf32> to vector<8xf32>
      %broadcast_in_dim3A_182 = vector.shape_cast %reduce_sum3A_181 : vector<8xf32> to vector<8x1xf32>
      %jit3A_183 = arith.constant 0.000000e+00 : f32
      %broadcast_in_dim3A_184 = vector.broadcast %jit3A_183 : f32 to vector<8x2048xf32>
      %select_n3A_185 = arith.select %eq3A_173, %get3A_13, %broadcast_in_dim3A_184 : vector<8x2048xi1>, vector<8x2048xf32>
      %reduce_sum3A_186 = arith.constant dense<0.000000e+00> : vector<8xf32>
      %reduce_sum3A_187 = vector.multi_reduction <add>, %select_n3A_185, %reduce_sum3A_186 [1] : vector<8x2048xf32> to vector<8xf32>
      %broadcast_in_dim3A_188 = vector.shape_cast %reduce_sum3A_187 : vector<8xf32> to vector<8x1xf32>
      %eq3A_189 = vector.broadcast %scan3A_166 : i32 to vector<8x128xi32>
      %eq3A_190 = arith.cmpi eq, %iota3A_14, %eq3A_189 : vector<8x128xi32>
      %broadcast_in_dim3A_191 = vector.shape_cast %scan3A_168 : vector<8x1xi32> to vector<8x1xi32>
      %broadcast_in_dim3A_192 = vector.broadcast %broadcast_in_dim3A_191 : vector<8x1xi32> to vector<8x128xi32>
      %select_n3A_193 = arith.select %eq3A_190, %broadcast_in_dim3A_192, %scan3A_169 : vector<8x128xi1>, vector<8x128xi32>
      %broadcast_in_dim3A_194 = vector.shape_cast %broadcast_in_dim3A_176 : vector<8x1xf32> to vector<8x1xf32>
      %broadcast_in_dim3A_195 = vector.broadcast %broadcast_in_dim3A_194 : vector<8x1xf32> to vector<8x128xf32>
      %select_n3A_196 = arith.select %eq3A_190, %broadcast_in_dim3A_195, %scan3A_170 : vector<8x128xi1>, vector<8x128xf32>
      %broadcast_in_dim3A_197 = vector.shape_cast %broadcast_in_dim3A_182 : vector<8x1xf32> to vector<8x1xf32>
      %broadcast_in_dim3A_198 = vector.broadcast %broadcast_in_dim3A_197 : vector<8x1xf32> to vector<8x128xf32>
      %select_n3A_199 = arith.select %eq3A_190, %broadcast_in_dim3A_198, %scan3A_171 : vector<8x128xi1>, vector<8x128xf32>
      %broadcast_in_dim3A_200 = vector.shape_cast %broadcast_in_dim3A_188 : vector<8x1xf32> to vector<8x1xf32>
      %broadcast_in_dim3A_201 = vector.broadcast %broadcast_in_dim3A_200 : vector<8x1xf32> to vector<8x128xf32>
      %select_n3A_202 = arith.select %eq3A_190, %broadcast_in_dim3A_201, %scan3A_172 : vector<8x128xi1>, vector<8x128xf32>
      %sub3A = vector.broadcast %broadcast_in_dim3A_176 : vector<8x1xf32> to vector<8x2048xf32>
      %sub3A_203 = arith.subf %get3A_3, %sub3A : vector<8x2048xf32>
      %integer_pow3A = arith.mulf %sub3A_203, %sub3A_203 : vector<8x2048xf32>
      %sub3A_204 = vector.broadcast %broadcast_in_dim3A_182 : vector<8x1xf32> to vector<8x2048xf32>
      %sub3A_205 = arith.subf %get3A_8, %sub3A_204 : vector<8x2048xf32>
      %integer_pow3A_206 = arith.mulf %sub3A_205, %sub3A_205 : vector<8x2048xf32>
      %add3A = arith.addf %integer_pow3A, %integer_pow3A_206 : vector<8x2048xf32>
      %sub3A_207 = vector.broadcast %broadcast_in_dim3A_188 : vector<8x1xf32> to vector<8x2048xf32>
      %sub3A_208 = arith.subf %get3A_13, %sub3A_207 : vector<8x2048xf32>
      %integer_pow3A_209 = arith.mulf %sub3A_208, %sub3A_208 : vector<8x2048xf32>
      %add3A_210 = arith.addf %add3A, %integer_pow3A_209 : vector<8x2048xf32>
      %min3A = arith.minimumf %scan3A_167, %add3A_210 : vector<8x2048xf32>
      %reduce_max3A = arith.constant dense<0xFF800000> : vector<8xf32>
      %reduce_max3A_211 = vector.multi_reduction <maximumf>, %min3A, %reduce_max3A [1] : vector<8x2048xf32> to vector<8xf32>
      %broadcast_in_dim3A_212 = vector.shape_cast %reduce_max3A_211 : vector<8xf32> to vector<8x1xf32>
      %eq3A_213 = vector.broadcast %broadcast_in_dim3A_212 : vector<8x1xf32> to vector<8x2048xf32>
      %eq3A_214 = arith.cmpf oeq, %min3A, %eq3A_213 : vector<8x2048xf32>
      %jit3A_215 = arith.constant 2048 : i32
      %broadcast_in_dim3A_216 = vector.broadcast %jit3A_215 : i32 to vector<8x2048xi32>
      %select_n3A_217 = arith.select %eq3A_214, %iota3A, %broadcast_in_dim3A_216 : vector<8x2048xi1>, vector<8x2048xi32>
      %reduce_min3A = arith.constant dense<2147483647> : vector<8xi32>
      %reduce_min3A_218 = vector.multi_reduction <minsi>, %select_n3A_217, %reduce_min3A [1] : vector<8x2048xi32> to vector<8xi32>
      %broadcast_in_dim3A_219 = vector.shape_cast %reduce_min3A_218 : vector<8xi32> to vector<8x1xi32>
      scf.yield %min3A, %broadcast_in_dim3A_219, %select_n3A_193, %select_n3A_196, %select_n3A_199, %select_n3A_202 : vector<8x2048xf32>, vector<8x1xi32>, vector<8x128xi32>, vector<8x128xf32>, vector<8x128xf32>, vector<8x128xf32>
    }
    %scan3A_45 = arith.constant 128 : i32
    %swap3A_46 = arith.constant 0 : index
    %swap3A_47 = arith.constant 128 : index
    %swap3A_48 = vector.load %arg1[%swap3A_46, %swap3A_47] : memref<8x1024xi32, #tpu.memory_space<vmem>>, vector<8x128xi32>
    tpu.vector_store %arg1[%swap3A_46, %swap3A_47], %scan3A_44#2 {strides = array<i32>} : memref<8x1024xi32, #tpu.memory_space<vmem>>, vector<8x128xi32>,
    %swap3A_49 = arith.constant 0 : index
    %swap3A_50 = arith.constant 128 : index
    %swap3A_51 = vector.load %arg2[%swap3A_49, %swap3A_50] : memref<8x1024xf32, #tpu.memory_space<vmem>>, vector<8x128xf32>
    tpu.vector_store %arg2[%swap3A_49, %swap3A_50], %scan3A_44#3 {strides = array<i32>} : memref<8x1024xf32, #tpu.memory_space<vmem>>, vector<8x128xf32>,
    %swap3A_52 = arith.constant 0 : index
    %swap3A_53 = arith.constant 128 : index
    %swap3A_54 = vector.load %arg3[%swap3A_52, %swap3A_53] : memref<8x1024xf32, #tpu.memory_space<vmem>>, vector<8x128xf32>
    tpu.vector_store %arg3[%swap3A_52, %swap3A_53], %scan3A_44#4 {strides = array<i32>} : memref<8x1024xf32, #tpu.memory_space<vmem>>, vector<8x128xf32>,
    %swap3A_55 = arith.constant 0 : index
    %swap3A_56 = arith.constant 128 : index
    %swap3A_57 = vector.load %arg4[%swap3A_55, %swap3A_56] : memref<8x1024xf32, #tpu.memory_space<vmem>>, vector<8x128xf32>
    tpu.vector_store %arg4[%swap3A_55, %swap3A_56], %scan3A_44#5 {strides = array<i32>} : memref<8x1024xf32, #tpu.memory_space<vmem>>, vector<8x128xf32>,
    %scan3A_58 = arith.constant 0 : i32
    %scan3A_59 = arith.constant 128 : i32
    %scan3A_60 = arith.addi %scan3A_58, %scan3A_59 : i32
    %scan3A_61 = arith.constant 1 : i32
    %scan3A_62:6 = scf.for %scan3A_166 = %scan3A_58 to %scan3A_60 step %scan3A_61 iter_args(%scan3A_167 = %scan3A_44#0, %scan3A_168 = %scan3A_44#1, %scan3A_169 = %get3A_20, %scan3A_170 = %get3A_23, %scan3A_171 = %get3A_23, %scan3A_172 = %get3A_23) -> (vector<8x2048xf32>, vector<8x1xi32>, vector<8x128xi32>, vector<8x128xf32>, vector<8x128xf32>, vector<8x128xf32>)  : i32 {
      %eq3A = vector.broadcast %scan3A_168 : vector<8x1xi32> to vector<8x2048xi32>
      %eq3A_173 = arith.cmpi eq, %iota3A, %eq3A : vector<8x2048xi32>
      %jit3A = arith.constant 0.000000e+00 : f32
      %broadcast_in_dim3A_174 = vector.broadcast %jit3A : f32 to vector<8x2048xf32>
      %select_n3A = arith.select %eq3A_173, %get3A_3, %broadcast_in_dim3A_174 : vector<8x2048xi1>, vector<8x2048xf32>
      %reduce_sum3A = arith.constant dense<0.000000e+00> : vector<8xf32>
      %reduce_sum3A_175 = vector.multi_reduction <add>, %select_n3A, %reduce_sum3A [1] : vector<8x2048xf32> to vector<8xf32>
      %broadcast_in_dim3A_176 = vector.shape_cast %reduce_sum3A_175 : vector<8xf32> to vector<8x1xf32>
      %jit3A_177 = arith.constant 0.000000e+00 : f32
      %broadcast_in_dim3A_178 = vector.broadcast %jit3A_177 : f32 to vector<8x2048xf32>
      %select_n3A_179 = arith.select %eq3A_173, %get3A_8, %broadcast_in_dim3A_178 : vector<8x2048xi1>, vector<8x2048xf32>
      %reduce_sum3A_180 = arith.constant dense<0.000000e+00> : vector<8xf32>
      %reduce_sum3A_181 = vector.multi_reduction <add>, %select_n3A_179, %reduce_sum3A_180 [1] : vector<8x2048xf32> to vector<8xf32>
      %broadcast_in_dim3A_182 = vector.shape_cast %reduce_sum3A_181 : vector<8xf32> to vector<8x1xf32>
      %jit3A_183 = arith.constant 0.000000e+00 : f32
      %broadcast_in_dim3A_184 = vector.broadcast %jit3A_183 : f32 to vector<8x2048xf32>
      %select_n3A_185 = arith.select %eq3A_173, %get3A_13, %broadcast_in_dim3A_184 : vector<8x2048xi1>, vector<8x2048xf32>
      %reduce_sum3A_186 = arith.constant dense<0.000000e+00> : vector<8xf32>
      %reduce_sum3A_187 = vector.multi_reduction <add>, %select_n3A_185, %reduce_sum3A_186 [1] : vector<8x2048xf32> to vector<8xf32>
      %broadcast_in_dim3A_188 = vector.shape_cast %reduce_sum3A_187 : vector<8xf32> to vector<8x1xf32>
      %eq3A_189 = vector.broadcast %scan3A_166 : i32 to vector<8x128xi32>
      %eq3A_190 = arith.cmpi eq, %iota3A_14, %eq3A_189 : vector<8x128xi32>
      %broadcast_in_dim3A_191 = vector.shape_cast %scan3A_168 : vector<8x1xi32> to vector<8x1xi32>
      %broadcast_in_dim3A_192 = vector.broadcast %broadcast_in_dim3A_191 : vector<8x1xi32> to vector<8x128xi32>
      %select_n3A_193 = arith.select %eq3A_190, %broadcast_in_dim3A_192, %scan3A_169 : vector<8x128xi1>, vector<8x128xi32>
      %broadcast_in_dim3A_194 = vector.shape_cast %broadcast_in_dim3A_176 : vector<8x1xf32> to vector<8x1xf32>
      %broadcast_in_dim3A_195 = vector.broadcast %broadcast_in_dim3A_194 : vector<8x1xf32> to vector<8x128xf32>
      %select_n3A_196 = arith.select %eq3A_190, %broadcast_in_dim3A_195, %scan3A_170 : vector<8x128xi1>, vector<8x128xf32>
      %broadcast_in_dim3A_197 = vector.shape_cast %broadcast_in_dim3A_182 : vector<8x1xf32> to vector<8x1xf32>
      %broadcast_in_dim3A_198 = vector.broadcast %broadcast_in_dim3A_197 : vector<8x1xf32> to vector<8x128xf32>
      %select_n3A_199 = arith.select %eq3A_190, %broadcast_in_dim3A_198, %scan3A_171 : vector<8x128xi1>, vector<8x128xf32>
      %broadcast_in_dim3A_200 = vector.shape_cast %broadcast_in_dim3A_188 : vector<8x1xf32> to vector<8x1xf32>
      %broadcast_in_dim3A_201 = vector.broadcast %broadcast_in_dim3A_200 : vector<8x1xf32> to vector<8x128xf32>
      %select_n3A_202 = arith.select %eq3A_190, %broadcast_in_dim3A_201, %scan3A_172 : vector<8x128xi1>, vector<8x128xf32>
      %sub3A = vector.broadcast %broadcast_in_dim3A_176 : vector<8x1xf32> to vector<8x2048xf32>
      %sub3A_203 = arith.subf %get3A_3, %sub3A : vector<8x2048xf32>
      %integer_pow3A = arith.mulf %sub3A_203, %sub3A_203 : vector<8x2048xf32>
      %sub3A_204 = vector.broadcast %broadcast_in_dim3A_182 : vector<8x1xf32> to vector<8x2048xf32>
      %sub3A_205 = arith.subf %get3A_8, %sub3A_204 : vector<8x2048xf32>
      %integer_pow3A_206 = arith.mulf %sub3A_205, %sub3A_205 : vector<8x2048xf32>
      %add3A = arith.addf %integer_pow3A, %integer_pow3A_206 : vector<8x2048xf32>
      %sub3A_207 = vector.broadcast %broadcast_in_dim3A_188 : vector<8x1xf32> to vector<8x2048xf32>
      %sub3A_208 = arith.subf %get3A_13, %sub3A_207 : vector<8x2048xf32>
      %integer_pow3A_209 = arith.mulf %sub3A_208, %sub3A_208 : vector<8x2048xf32>
      %add3A_210 = arith.addf %add3A, %integer_pow3A_209 : vector<8x2048xf32>
      %min3A = arith.minimumf %scan3A_167, %add3A_210 : vector<8x2048xf32>
      %reduce_max3A = arith.constant dense<0xFF800000> : vector<8xf32>
      %reduce_max3A_211 = vector.multi_reduction <maximumf>, %min3A, %reduce_max3A [1] : vector<8x2048xf32> to vector<8xf32>
      %broadcast_in_dim3A_212 = vector.shape_cast %reduce_max3A_211 : vector<8xf32> to vector<8x1xf32>
      %eq3A_213 = vector.broadcast %broadcast_in_dim3A_212 : vector<8x1xf32> to vector<8x2048xf32>
      %eq3A_214 = arith.cmpf oeq, %min3A, %eq3A_213 : vector<8x2048xf32>
      %jit3A_215 = arith.constant 2048 : i32
      %broadcast_in_dim3A_216 = vector.broadcast %jit3A_215 : i32 to vector<8x2048xi32>
      %select_n3A_217 = arith.select %eq3A_214, %iota3A, %broadcast_in_dim3A_216 : vector<8x2048xi1>, vector<8x2048xi32>
      %reduce_min3A = arith.constant dense<2147483647> : vector<8xi32>
      %reduce_min3A_218 = vector.multi_reduction <minsi>, %select_n3A_217, %reduce_min3A [1] : vector<8x2048xi32> to vector<8xi32>
      %broadcast_in_dim3A_219 = vector.shape_cast %reduce_min3A_218 : vector<8xi32> to vector<8x1xi32>
      scf.yield %min3A, %broadcast_in_dim3A_219, %select_n3A_193, %select_n3A_196, %select_n3A_199, %select_n3A_202 : vector<8x2048xf32>, vector<8x1xi32>, vector<8x128xi32>, vector<8x128xf32>, vector<8x128xf32>, vector<8x128xf32>
    }
    %scan3A_63 = arith.constant 128 : i32
    %swap3A_64 = arith.constant 0 : index
    %swap3A_65 = arith.constant 256 : index
    %swap3A_66 = vector.load %arg1[%swap3A_64, %swap3A_65] : memref<8x1024xi32, #tpu.memory_space<vmem>>, vector<8x128xi32>
    tpu.vector_store %arg1[%swap3A_64, %swap3A_65], %scan3A_62#2 {strides = array<i32>} : memref<8x1024xi32, #tpu.memory_space<vmem>>, vector<8x128xi32>,
    %swap3A_67 = arith.constant 0 : index
    %swap3A_68 = arith.constant 256 : index
    %swap3A_69 = vector.load %arg2[%swap3A_67, %swap3A_68] : memref<8x1024xf32, #tpu.memory_space<vmem>>, vector<8x128xf32>
    tpu.vector_store %arg2[%swap3A_67, %swap3A_68], %scan3A_62#3 {strides = array<i32>} : memref<8x1024xf32, #tpu.memory_space<vmem>>, vector<8x128xf32>,
    %swap3A_70 = arith.constant 0 : index
    %swap3A_71 = arith.constant 256 : index
    %swap3A_72 = vector.load %arg3[%swap3A_70, %swap3A_71] : memref<8x1024xf32, #tpu.memory_space<vmem>>, vector<8x128xf32>
    tpu.vector_store %arg3[%swap3A_70, %swap3A_71], %scan3A_62#4 {strides = array<i32>} : memref<8x1024xf32, #tpu.memory_space<vmem>>, vector<8x128xf32>,
    %swap3A_73 = arith.constant 0 : index
    %swap3A_74 = arith.constant 256 : index
    %swap3A_75 = vector.load %arg4[%swap3A_73, %swap3A_74] : memref<8x1024xf32, #tpu.memory_space<vmem>>, vector<8x128xf32>
    tpu.vector_store %arg4[%swap3A_73, %swap3A_74], %scan3A_62#5 {strides = array<i32>} : memref<8x1024xf32, #tpu.memory_space<vmem>>, vector<8x128xf32>,
    %scan3A_76 = arith.constant 0 : i32
    %scan3A_77 = arith.constant 128 : i32
    %scan3A_78 = arith.addi %scan3A_76, %scan3A_77 : i32
    %scan3A_79 = arith.constant 1 : i32
    %scan3A_80:6 = scf.for %scan3A_166 = %scan3A_76 to %scan3A_78 step %scan3A_79 iter_args(%scan3A_167 = %scan3A_62#0, %scan3A_168 = %scan3A_62#1, %scan3A_169 = %get3A_20, %scan3A_170 = %get3A_23, %scan3A_171 = %get3A_23, %scan3A_172 = %get3A_23) -> (vector<8x2048xf32>, vector<8x1xi32>, vector<8x128xi32>, vector<8x128xf32>, vector<8x128xf32>, vector<8x128xf32>)  : i32 {
      %eq3A = vector.broadcast %scan3A_168 : vector<8x1xi32> to vector<8x2048xi32>
      %eq3A_173 = arith.cmpi eq, %iota3A, %eq3A : vector<8x2048xi32>
      %jit3A = arith.constant 0.000000e+00 : f32
      %broadcast_in_dim3A_174 = vector.broadcast %jit3A : f32 to vector<8x2048xf32>
      %select_n3A = arith.select %eq3A_173, %get3A_3, %broadcast_in_dim3A_174 : vector<8x2048xi1>, vector<8x2048xf32>
      %reduce_sum3A = arith.constant dense<0.000000e+00> : vector<8xf32>
      %reduce_sum3A_175 = vector.multi_reduction <add>, %select_n3A, %reduce_sum3A [1] : vector<8x2048xf32> to vector<8xf32>
      %broadcast_in_dim3A_176 = vector.shape_cast %reduce_sum3A_175 : vector<8xf32> to vector<8x1xf32>
      %jit3A_177 = arith.constant 0.000000e+00 : f32
      %broadcast_in_dim3A_178 = vector.broadcast %jit3A_177 : f32 to vector<8x2048xf32>
      %select_n3A_179 = arith.select %eq3A_173, %get3A_8, %broadcast_in_dim3A_178 : vector<8x2048xi1>, vector<8x2048xf32>
      %reduce_sum3A_180 = arith.constant dense<0.000000e+00> : vector<8xf32>
      %reduce_sum3A_181 = vector.multi_reduction <add>, %select_n3A_179, %reduce_sum3A_180 [1] : vector<8x2048xf32> to vector<8xf32>
      %broadcast_in_dim3A_182 = vector.shape_cast %reduce_sum3A_181 : vector<8xf32> to vector<8x1xf32>
      %jit3A_183 = arith.constant 0.000000e+00 : f32
      %broadcast_in_dim3A_184 = vector.broadcast %jit3A_183 : f32 to vector<8x2048xf32>
      %select_n3A_185 = arith.select %eq3A_173, %get3A_13, %broadcast_in_dim3A_184 : vector<8x2048xi1>, vector<8x2048xf32>
      %reduce_sum3A_186 = arith.constant dense<0.000000e+00> : vector<8xf32>
      %reduce_sum3A_187 = vector.multi_reduction <add>, %select_n3A_185, %reduce_sum3A_186 [1] : vector<8x2048xf32> to vector<8xf32>
      %broadcast_in_dim3A_188 = vector.shape_cast %reduce_sum3A_187 : vector<8xf32> to vector<8x1xf32>
      %eq3A_189 = vector.broadcast %scan3A_166 : i32 to vector<8x128xi32>
      %eq3A_190 = arith.cmpi eq, %iota3A_14, %eq3A_189 : vector<8x128xi32>
      %broadcast_in_dim3A_191 = vector.shape_cast %scan3A_168 : vector<8x1xi32> to vector<8x1xi32>
      %broadcast_in_dim3A_192 = vector.broadcast %broadcast_in_dim3A_191 : vector<8x1xi32> to vector<8x128xi32>
      %select_n3A_193 = arith.select %eq3A_190, %broadcast_in_dim3A_192, %scan3A_169 : vector<8x128xi1>, vector<8x128xi32>
      %broadcast_in_dim3A_194 = vector.shape_cast %broadcast_in_dim3A_176 : vector<8x1xf32> to vector<8x1xf32>
      %broadcast_in_dim3A_195 = vector.broadcast %broadcast_in_dim3A_194 : vector<8x1xf32> to vector<8x128xf32>
      %select_n3A_196 = arith.select %eq3A_190, %broadcast_in_dim3A_195, %scan3A_170 : vector<8x128xi1>, vector<8x128xf32>
      %broadcast_in_dim3A_197 = vector.shape_cast %broadcast_in_dim3A_182 : vector<8x1xf32> to vector<8x1xf32>
      %broadcast_in_dim3A_198 = vector.broadcast %broadcast_in_dim3A_197 : vector<8x1xf32> to vector<8x128xf32>
      %select_n3A_199 = arith.select %eq3A_190, %broadcast_in_dim3A_198, %scan3A_171 : vector<8x128xi1>, vector<8x128xf32>
      %broadcast_in_dim3A_200 = vector.shape_cast %broadcast_in_dim3A_188 : vector<8x1xf32> to vector<8x1xf32>
      %broadcast_in_dim3A_201 = vector.broadcast %broadcast_in_dim3A_200 : vector<8x1xf32> to vector<8x128xf32>
      %select_n3A_202 = arith.select %eq3A_190, %broadcast_in_dim3A_201, %scan3A_172 : vector<8x128xi1>, vector<8x128xf32>
      %sub3A = vector.broadcast %broadcast_in_dim3A_176 : vector<8x1xf32> to vector<8x2048xf32>
      %sub3A_203 = arith.subf %get3A_3, %sub3A : vector<8x2048xf32>
      %integer_pow3A = arith.mulf %sub3A_203, %sub3A_203 : vector<8x2048xf32>
      %sub3A_204 = vector.broadcast %broadcast_in_dim3A_182 : vector<8x1xf32> to vector<8x2048xf32>
      %sub3A_205 = arith.subf %get3A_8, %sub3A_204 : vector<8x2048xf32>
      %integer_pow3A_206 = arith.mulf %sub3A_205, %sub3A_205 : vector<8x2048xf32>
      %add3A = arith.addf %integer_pow3A, %integer_pow3A_206 : vector<8x2048xf32>
      %sub3A_207 = vector.broadcast %broadcast_in_dim3A_188 : vector<8x1xf32> to vector<8x2048xf32>
      %sub3A_208 = arith.subf %get3A_13, %sub3A_207 : vector<8x2048xf32>
      %integer_pow3A_209 = arith.mulf %sub3A_208, %sub3A_208 : vector<8x2048xf32>
      %add3A_210 = arith.addf %add3A, %integer_pow3A_209 : vector<8x2048xf32>
      %min3A = arith.minimumf %scan3A_167, %add3A_210 : vector<8x2048xf32>
      %reduce_max3A = arith.constant dense<0xFF800000> : vector<8xf32>
      %reduce_max3A_211 = vector.multi_reduction <maximumf>, %min3A, %reduce_max3A [1] : vector<8x2048xf32> to vector<8xf32>
      %broadcast_in_dim3A_212 = vector.shape_cast %reduce_max3A_211 : vector<8xf32> to vector<8x1xf32>
      %eq3A_213 = vector.broadcast %broadcast_in_dim3A_212 : vector<8x1xf32> to vector<8x2048xf32>
      %eq3A_214 = arith.cmpf oeq, %min3A, %eq3A_213 : vector<8x2048xf32>
      %jit3A_215 = arith.constant 2048 : i32
      %broadcast_in_dim3A_216 = vector.broadcast %jit3A_215 : i32 to vector<8x2048xi32>
      %select_n3A_217 = arith.select %eq3A_214, %iota3A, %broadcast_in_dim3A_216 : vector<8x2048xi1>, vector<8x2048xi32>
      %reduce_min3A = arith.constant dense<2147483647> : vector<8xi32>
      %reduce_min3A_218 = vector.multi_reduction <minsi>, %select_n3A_217, %reduce_min3A [1] : vector<8x2048xi32> to vector<8xi32>
      %broadcast_in_dim3A_219 = vector.shape_cast %reduce_min3A_218 : vector<8xi32> to vector<8x1xi32>
      scf.yield %min3A, %broadcast_in_dim3A_219, %select_n3A_193, %select_n3A_196, %select_n3A_199, %select_n3A_202 : vector<8x2048xf32>, vector<8x1xi32>, vector<8x128xi32>, vector<8x128xf32>, vector<8x128xf32>, vector<8x128xf32>
    }
    %scan3A_81 = arith.constant 128 : i32
    %swap3A_82 = arith.constant 0 : index
    %swap3A_83 = arith.constant 384 : index
    %swap3A_84 = vector.load %arg1[%swap3A_82, %swap3A_83] : memref<8x1024xi32, #tpu.memory_space<vmem>>, vector<8x128xi32>
    tpu.vector_store %arg1[%swap3A_82, %swap3A_83], %scan3A_80#2 {strides = array<i32>} : memref<8x1024xi32, #tpu.memory_space<vmem>>, vector<8x128xi32>,
    %swap3A_85 = arith.constant 0 : index
    %swap3A_86 = arith.constant 384 : index
    %swap3A_87 = vector.load %arg2[%swap3A_85, %swap3A_86] : memref<8x1024xf32, #tpu.memory_space<vmem>>, vector<8x128xf32>
    tpu.vector_store %arg2[%swap3A_85, %swap3A_86], %scan3A_80#3 {strides = array<i32>} : memref<8x1024xf32, #tpu.memory_space<vmem>>, vector<8x128xf32>,
    %swap3A_88 = arith.constant 0 : index
    %swap3A_89 = arith.constant 384 : index
    %swap3A_90 = vector.load %arg3[%swap3A_88, %swap3A_89] : memref<8x1024xf32, #tpu.memory_space<vmem>>, vector<8x128xf32>
    tpu.vector_store %arg3[%swap3A_88, %swap3A_89], %scan3A_80#4 {strides = array<i32>} : memref<8x1024xf32, #tpu.memory_space<vmem>>, vector<8x128xf32>,
    %swap3A_91 = arith.constant 0 : index
    %swap3A_92 = arith.constant 384 : index
    %swap3A_93 = vector.load %arg4[%swap3A_91, %swap3A_92] : memref<8x1024xf32, #tpu.memory_space<vmem>>, vector<8x128xf32>
    tpu.vector_store %arg4[%swap3A_91, %swap3A_92], %scan3A_80#5 {strides = array<i32>} : memref<8x1024xf32, #tpu.memory_space<vmem>>, vector<8x128xf32>,
    %scan3A_94 = arith.constant 0 : i32
    %scan3A_95 = arith.constant 128 : i32
    %scan3A_96 = arith.addi %scan3A_94, %scan3A_95 : i32
    %scan3A_97 = arith.constant 1 : i32
    %scan3A_98:6 = scf.for %scan3A_166 = %scan3A_94 to %scan3A_96 step %scan3A_97 iter_args(%scan3A_167 = %scan3A_80#0, %scan3A_168 = %scan3A_80#1, %scan3A_169 = %get3A_20, %scan3A_170 = %get3A_23, %scan3A_171 = %get3A_23, %scan3A_172 = %get3A_23) -> (vector<8x2048xf32>, vector<8x1xi32>, vector<8x128xi32>, vector<8x128xf32>, vector<8x128xf32>, vector<8x128xf32>)  : i32 {
      %eq3A = vector.broadcast %scan3A_168 : vector<8x1xi32> to vector<8x2048xi32>
      %eq3A_173 = arith.cmpi eq, %iota3A, %eq3A : vector<8x2048xi32>
      %jit3A = arith.constant 0.000000e+00 : f32
      %broadcast_in_dim3A_174 = vector.broadcast %jit3A : f32 to vector<8x2048xf32>
      %select_n3A = arith.select %eq3A_173, %get3A_3, %broadcast_in_dim3A_174 : vector<8x2048xi1>, vector<8x2048xf32>
      %reduce_sum3A = arith.constant dense<0.000000e+00> : vector<8xf32>
      %reduce_sum3A_175 = vector.multi_reduction <add>, %select_n3A, %reduce_sum3A [1] : vector<8x2048xf32> to vector<8xf32>
      %broadcast_in_dim3A_176 = vector.shape_cast %reduce_sum3A_175 : vector<8xf32> to vector<8x1xf32>
      %jit3A_177 = arith.constant 0.000000e+00 : f32
      %broadcast_in_dim3A_178 = vector.broadcast %jit3A_177 : f32 to vector<8x2048xf32>
      %select_n3A_179 = arith.select %eq3A_173, %get3A_8, %broadcast_in_dim3A_178 : vector<8x2048xi1>, vector<8x2048xf32>
      %reduce_sum3A_180 = arith.constant dense<0.000000e+00> : vector<8xf32>
      %reduce_sum3A_181 = vector.multi_reduction <add>, %select_n3A_179, %reduce_sum3A_180 [1] : vector<8x2048xf32> to vector<8xf32>
      %broadcast_in_dim3A_182 = vector.shape_cast %reduce_sum3A_181 : vector<8xf32> to vector<8x1xf32>
      %jit3A_183 = arith.constant 0.000000e+00 : f32
      %broadcast_in_dim3A_184 = vector.broadcast %jit3A_183 : f32 to vector<8x2048xf32>
      %select_n3A_185 = arith.select %eq3A_173, %get3A_13, %broadcast_in_dim3A_184 : vector<8x2048xi1>, vector<8x2048xf32>
      %reduce_sum3A_186 = arith.constant dense<0.000000e+00> : vector<8xf32>
      %reduce_sum3A_187 = vector.multi_reduction <add>, %select_n3A_185, %reduce_sum3A_186 [1] : vector<8x2048xf32> to vector<8xf32>
      %broadcast_in_dim3A_188 = vector.shape_cast %reduce_sum3A_187 : vector<8xf32> to vector<8x1xf32>
      %eq3A_189 = vector.broadcast %scan3A_166 : i32 to vector<8x128xi32>
      %eq3A_190 = arith.cmpi eq, %iota3A_14, %eq3A_189 : vector<8x128xi32>
      %broadcast_in_dim3A_191 = vector.shape_cast %scan3A_168 : vector<8x1xi32> to vector<8x1xi32>
      %broadcast_in_dim3A_192 = vector.broadcast %broadcast_in_dim3A_191 : vector<8x1xi32> to vector<8x128xi32>
      %select_n3A_193 = arith.select %eq3A_190, %broadcast_in_dim3A_192, %scan3A_169 : vector<8x128xi1>, vector<8x128xi32>
      %broadcast_in_dim3A_194 = vector.shape_cast %broadcast_in_dim3A_176 : vector<8x1xf32> to vector<8x1xf32>
      %broadcast_in_dim3A_195 = vector.broadcast %broadcast_in_dim3A_194 : vector<8x1xf32> to vector<8x128xf32>
      %select_n3A_196 = arith.select %eq3A_190, %broadcast_in_dim3A_195, %scan3A_170 : vector<8x128xi1>, vector<8x128xf32>
      %broadcast_in_dim3A_197 = vector.shape_cast %broadcast_in_dim3A_182 : vector<8x1xf32> to vector<8x1xf32>
      %broadcast_in_dim3A_198 = vector.broadcast %broadcast_in_dim3A_197 : vector<8x1xf32> to vector<8x128xf32>
      %select_n3A_199 = arith.select %eq3A_190, %broadcast_in_dim3A_198, %scan3A_171 : vector<8x128xi1>, vector<8x128xf32>
      %broadcast_in_dim3A_200 = vector.shape_cast %broadcast_in_dim3A_188 : vector<8x1xf32> to vector<8x1xf32>
      %broadcast_in_dim3A_201 = vector.broadcast %broadcast_in_dim3A_200 : vector<8x1xf32> to vector<8x128xf32>
      %select_n3A_202 = arith.select %eq3A_190, %broadcast_in_dim3A_201, %scan3A_172 : vector<8x128xi1>, vector<8x128xf32>
      %sub3A = vector.broadcast %broadcast_in_dim3A_176 : vector<8x1xf32> to vector<8x2048xf32>
      %sub3A_203 = arith.subf %get3A_3, %sub3A : vector<8x2048xf32>
      %integer_pow3A = arith.mulf %sub3A_203, %sub3A_203 : vector<8x2048xf32>
      %sub3A_204 = vector.broadcast %broadcast_in_dim3A_182 : vector<8x1xf32> to vector<8x2048xf32>
      %sub3A_205 = arith.subf %get3A_8, %sub3A_204 : vector<8x2048xf32>
      %integer_pow3A_206 = arith.mulf %sub3A_205, %sub3A_205 : vector<8x2048xf32>
      %add3A = arith.addf %integer_pow3A, %integer_pow3A_206 : vector<8x2048xf32>
      %sub3A_207 = vector.broadcast %broadcast_in_dim3A_188 : vector<8x1xf32> to vector<8x2048xf32>
      %sub3A_208 = arith.subf %get3A_13, %sub3A_207 : vector<8x2048xf32>
      %integer_pow3A_209 = arith.mulf %sub3A_208, %sub3A_208 : vector<8x2048xf32>
      %add3A_210 = arith.addf %add3A, %integer_pow3A_209 : vector<8x2048xf32>
      %min3A = arith.minimumf %scan3A_167, %add3A_210 : vector<8x2048xf32>
      %reduce_max3A = arith.constant dense<0xFF800000> : vector<8xf32>
      %reduce_max3A_211 = vector.multi_reduction <maximumf>, %min3A, %reduce_max3A [1] : vector<8x2048xf32> to vector<8xf32>
      %broadcast_in_dim3A_212 = vector.shape_cast %reduce_max3A_211 : vector<8xf32> to vector<8x1xf32>
      %eq3A_213 = vector.broadcast %broadcast_in_dim3A_212 : vector<8x1xf32> to vector<8x2048xf32>
      %eq3A_214 = arith.cmpf oeq, %min3A, %eq3A_213 : vector<8x2048xf32>
      %jit3A_215 = arith.constant 2048 : i32
      %broadcast_in_dim3A_216 = vector.broadcast %jit3A_215 : i32 to vector<8x2048xi32>
      %select_n3A_217 = arith.select %eq3A_214, %iota3A, %broadcast_in_dim3A_216 : vector<8x2048xi1>, vector<8x2048xi32>
      %reduce_min3A = arith.constant dense<2147483647> : vector<8xi32>
      %reduce_min3A_218 = vector.multi_reduction <minsi>, %select_n3A_217, %reduce_min3A [1] : vector<8x2048xi32> to vector<8xi32>
      %broadcast_in_dim3A_219 = vector.shape_cast %reduce_min3A_218 : vector<8xi32> to vector<8x1xi32>
      scf.yield %min3A, %broadcast_in_dim3A_219, %select_n3A_193, %select_n3A_196, %select_n3A_199, %select_n3A_202 : vector<8x2048xf32>, vector<8x1xi32>, vector<8x128xi32>, vector<8x128xf32>, vector<8x128xf32>, vector<8x128xf32>
    }
    %scan3A_99 = arith.constant 128 : i32
    %swap3A_100 = arith.constant 0 : index
    %swap3A_101 = arith.constant 512 : index
    %swap3A_102 = vector.load %arg1[%swap3A_100, %swap3A_101] : memref<8x1024xi32, #tpu.memory_space<vmem>>, vector<8x128xi32>
    tpu.vector_store %arg1[%swap3A_100, %swap3A_101], %scan3A_98#2 {strides = array<i32>} : memref<8x1024xi32, #tpu.memory_space<vmem>>, vector<8x128xi32>,
    %swap3A_103 = arith.constant 0 : index
    %swap3A_104 = arith.constant 512 : index
    %swap3A_105 = vector.load %arg2[%swap3A_103, %swap3A_104] : memref<8x1024xf32, #tpu.memory_space<vmem>>, vector<8x128xf32>
    tpu.vector_store %arg2[%swap3A_103, %swap3A_104], %scan3A_98#3 {strides = array<i32>} : memref<8x1024xf32, #tpu.memory_space<vmem>>, vector<8x128xf32>,
    %swap3A_106 = arith.constant 0 : index
    %swap3A_107 = arith.constant 512 : index
    %swap3A_108 = vector.load %arg3[%swap3A_106, %swap3A_107] : memref<8x1024xf32, #tpu.memory_space<vmem>>, vector<8x128xf32>
    tpu.vector_store %arg3[%swap3A_106, %swap3A_107], %scan3A_98#4 {strides = array<i32>} : memref<8x1024xf32, #tpu.memory_space<vmem>>, vector<8x128xf32>,
    %swap3A_109 = arith.constant 0 : index
    %swap3A_110 = arith.constant 512 : index
    %swap3A_111 = vector.load %arg4[%swap3A_109, %swap3A_110] : memref<8x1024xf32, #tpu.memory_space<vmem>>, vector<8x128xf32>
    tpu.vector_store %arg4[%swap3A_109, %swap3A_110], %scan3A_98#5 {strides = array<i32>} : memref<8x1024xf32, #tpu.memory_space<vmem>>, vector<8x128xf32>,
    %scan3A_112 = arith.constant 0 : i32
    %scan3A_113 = arith.constant 128 : i32
    %scan3A_114 = arith.addi %scan3A_112, %scan3A_113 : i32
    %scan3A_115 = arith.constant 1 : i32
    %scan3A_116:6 = scf.for %scan3A_166 = %scan3A_112 to %scan3A_114 step %scan3A_115 iter_args(%scan3A_167 = %scan3A_98#0, %scan3A_168 = %scan3A_98#1, %scan3A_169 = %get3A_20, %scan3A_170 = %get3A_23, %scan3A_171 = %get3A_23, %scan3A_172 = %get3A_23) -> (vector<8x2048xf32>, vector<8x1xi32>, vector<8x128xi32>, vector<8x128xf32>, vector<8x128xf32>, vector<8x128xf32>)  : i32 {
      %eq3A = vector.broadcast %scan3A_168 : vector<8x1xi32> to vector<8x2048xi32>
      %eq3A_173 = arith.cmpi eq, %iota3A, %eq3A : vector<8x2048xi32>
      %jit3A = arith.constant 0.000000e+00 : f32
      %broadcast_in_dim3A_174 = vector.broadcast %jit3A : f32 to vector<8x2048xf32>
      %select_n3A = arith.select %eq3A_173, %get3A_3, %broadcast_in_dim3A_174 : vector<8x2048xi1>, vector<8x2048xf32>
      %reduce_sum3A = arith.constant dense<0.000000e+00> : vector<8xf32>
      %reduce_sum3A_175 = vector.multi_reduction <add>, %select_n3A, %reduce_sum3A [1] : vector<8x2048xf32> to vector<8xf32>
      %broadcast_in_dim3A_176 = vector.shape_cast %reduce_sum3A_175 : vector<8xf32> to vector<8x1xf32>
      %jit3A_177 = arith.constant 0.000000e+00 : f32
      %broadcast_in_dim3A_178 = vector.broadcast %jit3A_177 : f32 to vector<8x2048xf32>
      %select_n3A_179 = arith.select %eq3A_173, %get3A_8, %broadcast_in_dim3A_178 : vector<8x2048xi1>, vector<8x2048xf32>
      %reduce_sum3A_180 = arith.constant dense<0.000000e+00> : vector<8xf32>
      %reduce_sum3A_181 = vector.multi_reduction <add>, %select_n3A_179, %reduce_sum3A_180 [1] : vector<8x2048xf32> to vector<8xf32>
      %broadcast_in_dim3A_182 = vector.shape_cast %reduce_sum3A_181 : vector<8xf32> to vector<8x1xf32>
      %jit3A_183 = arith.constant 0.000000e+00 : f32
      %broadcast_in_dim3A_184 = vector.broadcast %jit3A_183 : f32 to vector<8x2048xf32>
      %select_n3A_185 = arith.select %eq3A_173, %get3A_13, %broadcast_in_dim3A_184 : vector<8x2048xi1>, vector<8x2048xf32>
      %reduce_sum3A_186 = arith.constant dense<0.000000e+00> : vector<8xf32>
      %reduce_sum3A_187 = vector.multi_reduction <add>, %select_n3A_185, %reduce_sum3A_186 [1] : vector<8x2048xf32> to vector<8xf32>
      %broadcast_in_dim3A_188 = vector.shape_cast %reduce_sum3A_187 : vector<8xf32> to vector<8x1xf32>
      %eq3A_189 = vector.broadcast %scan3A_166 : i32 to vector<8x128xi32>
      %eq3A_190 = arith.cmpi eq, %iota3A_14, %eq3A_189 : vector<8x128xi32>
      %broadcast_in_dim3A_191 = vector.shape_cast %scan3A_168 : vector<8x1xi32> to vector<8x1xi32>
      %broadcast_in_dim3A_192 = vector.broadcast %broadcast_in_dim3A_191 : vector<8x1xi32> to vector<8x128xi32>
      %select_n3A_193 = arith.select %eq3A_190, %broadcast_in_dim3A_192, %scan3A_169 : vector<8x128xi1>, vector<8x128xi32>
      %broadcast_in_dim3A_194 = vector.shape_cast %broadcast_in_dim3A_176 : vector<8x1xf32> to vector<8x1xf32>
      %broadcast_in_dim3A_195 = vector.broadcast %broadcast_in_dim3A_194 : vector<8x1xf32> to vector<8x128xf32>
      %select_n3A_196 = arith.select %eq3A_190, %broadcast_in_dim3A_195, %scan3A_170 : vector<8x128xi1>, vector<8x128xf32>
      %broadcast_in_dim3A_197 = vector.shape_cast %broadcast_in_dim3A_182 : vector<8x1xf32> to vector<8x1xf32>
      %broadcast_in_dim3A_198 = vector.broadcast %broadcast_in_dim3A_197 : vector<8x1xf32> to vector<8x128xf32>
      %select_n3A_199 = arith.select %eq3A_190, %broadcast_in_dim3A_198, %scan3A_171 : vector<8x128xi1>, vector<8x128xf32>
      %broadcast_in_dim3A_200 = vector.shape_cast %broadcast_in_dim3A_188 : vector<8x1xf32> to vector<8x1xf32>
      %broadcast_in_dim3A_201 = vector.broadcast %broadcast_in_dim3A_200 : vector<8x1xf32> to vector<8x128xf32>
      %select_n3A_202 = arith.select %eq3A_190, %broadcast_in_dim3A_201, %scan3A_172 : vector<8x128xi1>, vector<8x128xf32>
      %sub3A = vector.broadcast %broadcast_in_dim3A_176 : vector<8x1xf32> to vector<8x2048xf32>
      %sub3A_203 = arith.subf %get3A_3, %sub3A : vector<8x2048xf32>
      %integer_pow3A = arith.mulf %sub3A_203, %sub3A_203 : vector<8x2048xf32>
      %sub3A_204 = vector.broadcast %broadcast_in_dim3A_182 : vector<8x1xf32> to vector<8x2048xf32>
      %sub3A_205 = arith.subf %get3A_8, %sub3A_204 : vector<8x2048xf32>
      %integer_pow3A_206 = arith.mulf %sub3A_205, %sub3A_205 : vector<8x2048xf32>
      %add3A = arith.addf %integer_pow3A, %integer_pow3A_206 : vector<8x2048xf32>
      %sub3A_207 = vector.broadcast %broadcast_in_dim3A_188 : vector<8x1xf32> to vector<8x2048xf32>
      %sub3A_208 = arith.subf %get3A_13, %sub3A_207 : vector<8x2048xf32>
      %integer_pow3A_209 = arith.mulf %sub3A_208, %sub3A_208 : vector<8x2048xf32>
      %add3A_210 = arith.addf %add3A, %integer_pow3A_209 : vector<8x2048xf32>
      %min3A = arith.minimumf %scan3A_167, %add3A_210 : vector<8x2048xf32>
      %reduce_max3A = arith.constant dense<0xFF800000> : vector<8xf32>
      %reduce_max3A_211 = vector.multi_reduction <maximumf>, %min3A, %reduce_max3A [1] : vector<8x2048xf32> to vector<8xf32>
      %broadcast_in_dim3A_212 = vector.shape_cast %reduce_max3A_211 : vector<8xf32> to vector<8x1xf32>
      %eq3A_213 = vector.broadcast %broadcast_in_dim3A_212 : vector<8x1xf32> to vector<8x2048xf32>
      %eq3A_214 = arith.cmpf oeq, %min3A, %eq3A_213 : vector<8x2048xf32>
      %jit3A_215 = arith.constant 2048 : i32
      %broadcast_in_dim3A_216 = vector.broadcast %jit3A_215 : i32 to vector<8x2048xi32>
      %select_n3A_217 = arith.select %eq3A_214, %iota3A, %broadcast_in_dim3A_216 : vector<8x2048xi1>, vector<8x2048xi32>
      %reduce_min3A = arith.constant dense<2147483647> : vector<8xi32>
      %reduce_min3A_218 = vector.multi_reduction <minsi>, %select_n3A_217, %reduce_min3A [1] : vector<8x2048xi32> to vector<8xi32>
      %broadcast_in_dim3A_219 = vector.shape_cast %reduce_min3A_218 : vector<8xi32> to vector<8x1xi32>
      scf.yield %min3A, %broadcast_in_dim3A_219, %select_n3A_193, %select_n3A_196, %select_n3A_199, %select_n3A_202 : vector<8x2048xf32>, vector<8x1xi32>, vector<8x128xi32>, vector<8x128xf32>, vector<8x128xf32>, vector<8x128xf32>
    }
    %scan3A_117 = arith.constant 128 : i32
    %swap3A_118 = arith.constant 0 : index
    %swap3A_119 = arith.constant 640 : index
    %swap3A_120 = vector.load %arg1[%swap3A_118, %swap3A_119] : memref<8x1024xi32, #tpu.memory_space<vmem>>, vector<8x128xi32>
    tpu.vector_store %arg1[%swap3A_118, %swap3A_119], %scan3A_116#2 {strides = array<i32>} : memref<8x1024xi32, #tpu.memory_space<vmem>>, vector<8x128xi32>,
    %swap3A_121 = arith.constant 0 : index
    %swap3A_122 = arith.constant 640 : index
    %swap3A_123 = vector.load %arg2[%swap3A_121, %swap3A_122] : memref<8x1024xf32, #tpu.memory_space<vmem>>, vector<8x128xf32>
    tpu.vector_store %arg2[%swap3A_121, %swap3A_122], %scan3A_116#3 {strides = array<i32>} : memref<8x1024xf32, #tpu.memory_space<vmem>>, vector<8x128xf32>,
    %swap3A_124 = arith.constant 0 : index
    %swap3A_125 = arith.constant 640 : index
    %swap3A_126 = vector.load %arg3[%swap3A_124, %swap3A_125] : memref<8x1024xf32, #tpu.memory_space<vmem>>, vector<8x128xf32>
    tpu.vector_store %arg3[%swap3A_124, %swap3A_125], %scan3A_116#4 {strides = array<i32>} : memref<8x1024xf32, #tpu.memory_space<vmem>>, vector<8x128xf32>,
    %swap3A_127 = arith.constant 0 : index
    %swap3A_128 = arith.constant 640 : index
    %swap3A_129 = vector.load %arg4[%swap3A_127, %swap3A_128] : memref<8x1024xf32, #tpu.memory_space<vmem>>, vector<8x128xf32>
    tpu.vector_store %arg4[%swap3A_127, %swap3A_128], %scan3A_116#5 {strides = array<i32>} : memref<8x1024xf32, #tpu.memory_space<vmem>>, vector<8x128xf32>,
    %scan3A_130 = arith.constant 0 : i32
    %scan3A_131 = arith.constant 128 : i32
    %scan3A_132 = arith.addi %scan3A_130, %scan3A_131 : i32
    %scan3A_133 = arith.constant 1 : i32
    %scan3A_134:6 = scf.for %scan3A_166 = %scan3A_130 to %scan3A_132 step %scan3A_133 iter_args(%scan3A_167 = %scan3A_116#0, %scan3A_168 = %scan3A_116#1, %scan3A_169 = %get3A_20, %scan3A_170 = %get3A_23, %scan3A_171 = %get3A_23, %scan3A_172 = %get3A_23) -> (vector<8x2048xf32>, vector<8x1xi32>, vector<8x128xi32>, vector<8x128xf32>, vector<8x128xf32>, vector<8x128xf32>)  : i32 {
      %eq3A = vector.broadcast %scan3A_168 : vector<8x1xi32> to vector<8x2048xi32>
      %eq3A_173 = arith.cmpi eq, %iota3A, %eq3A : vector<8x2048xi32>
      %jit3A = arith.constant 0.000000e+00 : f32
      %broadcast_in_dim3A_174 = vector.broadcast %jit3A : f32 to vector<8x2048xf32>
      %select_n3A = arith.select %eq3A_173, %get3A_3, %broadcast_in_dim3A_174 : vector<8x2048xi1>, vector<8x2048xf32>
      %reduce_sum3A = arith.constant dense<0.000000e+00> : vector<8xf32>
      %reduce_sum3A_175 = vector.multi_reduction <add>, %select_n3A, %reduce_sum3A [1] : vector<8x2048xf32> to vector<8xf32>
      %broadcast_in_dim3A_176 = vector.shape_cast %reduce_sum3A_175 : vector<8xf32> to vector<8x1xf32>
      %jit3A_177 = arith.constant 0.000000e+00 : f32
      %broadcast_in_dim3A_178 = vector.broadcast %jit3A_177 : f32 to vector<8x2048xf32>
      %select_n3A_179 = arith.select %eq3A_173, %get3A_8, %broadcast_in_dim3A_178 : vector<8x2048xi1>, vector<8x2048xf32>
      %reduce_sum3A_180 = arith.constant dense<0.000000e+00> : vector<8xf32>
      %reduce_sum3A_181 = vector.multi_reduction <add>, %select_n3A_179, %reduce_sum3A_180 [1] : vector<8x2048xf32> to vector<8xf32>
      %broadcast_in_dim3A_182 = vector.shape_cast %reduce_sum3A_181 : vector<8xf32> to vector<8x1xf32>
      %jit3A_183 = arith.constant 0.000000e+00 : f32
      %broadcast_in_dim3A_184 = vector.broadcast %jit3A_183 : f32 to vector<8x2048xf32>
      %select_n3A_185 = arith.select %eq3A_173, %get3A_13, %broadcast_in_dim3A_184 : vector<8x2048xi1>, vector<8x2048xf32>
      %reduce_sum3A_186 = arith.constant dense<0.000000e+00> : vector<8xf32>
      %reduce_sum3A_187 = vector.multi_reduction <add>, %select_n3A_185, %reduce_sum3A_186 [1] : vector<8x2048xf32> to vector<8xf32>
      %broadcast_in_dim3A_188 = vector.shape_cast %reduce_sum3A_187 : vector<8xf32> to vector<8x1xf32>
      %eq3A_189 = vector.broadcast %scan3A_166 : i32 to vector<8x128xi32>
      %eq3A_190 = arith.cmpi eq, %iota3A_14, %eq3A_189 : vector<8x128xi32>
      %broadcast_in_dim3A_191 = vector.shape_cast %scan3A_168 : vector<8x1xi32> to vector<8x1xi32>
      %broadcast_in_dim3A_192 = vector.broadcast %broadcast_in_dim3A_191 : vector<8x1xi32> to vector<8x128xi32>
      %select_n3A_193 = arith.select %eq3A_190, %broadcast_in_dim3A_192, %scan3A_169 : vector<8x128xi1>, vector<8x128xi32>
      %broadcast_in_dim3A_194 = vector.shape_cast %broadcast_in_dim3A_176 : vector<8x1xf32> to vector<8x1xf32>
      %broadcast_in_dim3A_195 = vector.broadcast %broadcast_in_dim3A_194 : vector<8x1xf32> to vector<8x128xf32>
      %select_n3A_196 = arith.select %eq3A_190, %broadcast_in_dim3A_195, %scan3A_170 : vector<8x128xi1>, vector<8x128xf32>
      %broadcast_in_dim3A_197 = vector.shape_cast %broadcast_in_dim3A_182 : vector<8x1xf32> to vector<8x1xf32>
      %broadcast_in_dim3A_198 = vector.broadcast %broadcast_in_dim3A_197 : vector<8x1xf32> to vector<8x128xf32>
      %select_n3A_199 = arith.select %eq3A_190, %broadcast_in_dim3A_198, %scan3A_171 : vector<8x128xi1>, vector<8x128xf32>
      %broadcast_in_dim3A_200 = vector.shape_cast %broadcast_in_dim3A_188 : vector<8x1xf32> to vector<8x1xf32>
      %broadcast_in_dim3A_201 = vector.broadcast %broadcast_in_dim3A_200 : vector<8x1xf32> to vector<8x128xf32>
      %select_n3A_202 = arith.select %eq3A_190, %broadcast_in_dim3A_201, %scan3A_172 : vector<8x128xi1>, vector<8x128xf32>
      %sub3A = vector.broadcast %broadcast_in_dim3A_176 : vector<8x1xf32> to vector<8x2048xf32>
      %sub3A_203 = arith.subf %get3A_3, %sub3A : vector<8x2048xf32>
      %integer_pow3A = arith.mulf %sub3A_203, %sub3A_203 : vector<8x2048xf32>
      %sub3A_204 = vector.broadcast %broadcast_in_dim3A_182 : vector<8x1xf32> to vector<8x2048xf32>
      %sub3A_205 = arith.subf %get3A_8, %sub3A_204 : vector<8x2048xf32>
      %integer_pow3A_206 = arith.mulf %sub3A_205, %sub3A_205 : vector<8x2048xf32>
      %add3A = arith.addf %integer_pow3A, %integer_pow3A_206 : vector<8x2048xf32>
      %sub3A_207 = vector.broadcast %broadcast_in_dim3A_188 : vector<8x1xf32> to vector<8x2048xf32>
      %sub3A_208 = arith.subf %get3A_13, %sub3A_207 : vector<8x2048xf32>
      %integer_pow3A_209 = arith.mulf %sub3A_208, %sub3A_208 : vector<8x2048xf32>
      %add3A_210 = arith.addf %add3A, %integer_pow3A_209 : vector<8x2048xf32>
      %min3A = arith.minimumf %scan3A_167, %add3A_210 : vector<8x2048xf32>
      %reduce_max3A = arith.constant dense<0xFF800000> : vector<8xf32>
      %reduce_max3A_211 = vector.multi_reduction <maximumf>, %min3A, %reduce_max3A [1] : vector<8x2048xf32> to vector<8xf32>
      %broadcast_in_dim3A_212 = vector.shape_cast %reduce_max3A_211 : vector<8xf32> to vector<8x1xf32>
      %eq3A_213 = vector.broadcast %broadcast_in_dim3A_212 : vector<8x1xf32> to vector<8x2048xf32>
      %eq3A_214 = arith.cmpf oeq, %min3A, %eq3A_213 : vector<8x2048xf32>
      %jit3A_215 = arith.constant 2048 : i32
      %broadcast_in_dim3A_216 = vector.broadcast %jit3A_215 : i32 to vector<8x2048xi32>
      %select_n3A_217 = arith.select %eq3A_214, %iota3A, %broadcast_in_dim3A_216 : vector<8x2048xi1>, vector<8x2048xi32>
      %reduce_min3A = arith.constant dense<2147483647> : vector<8xi32>
      %reduce_min3A_218 = vector.multi_reduction <minsi>, %select_n3A_217, %reduce_min3A [1] : vector<8x2048xi32> to vector<8xi32>
      %broadcast_in_dim3A_219 = vector.shape_cast %reduce_min3A_218 : vector<8xi32> to vector<8x1xi32>
      scf.yield %min3A, %broadcast_in_dim3A_219, %select_n3A_193, %select_n3A_196, %select_n3A_199, %select_n3A_202 : vector<8x2048xf32>, vector<8x1xi32>, vector<8x128xi32>, vector<8x128xf32>, vector<8x128xf32>, vector<8x128xf32>
    }
    %scan3A_135 = arith.constant 128 : i32
    %swap3A_136 = arith.constant 0 : index
    %swap3A_137 = arith.constant 768 : index
    %swap3A_138 = vector.load %arg1[%swap3A_136, %swap3A_137] : memref<8x1024xi32, #tpu.memory_space<vmem>>, vector<8x128xi32>
    tpu.vector_store %arg1[%swap3A_136, %swap3A_137], %scan3A_134#2 {strides = array<i32>} : memref<8x1024xi32, #tpu.memory_space<vmem>>, vector<8x128xi32>,
    %swap3A_139 = arith.constant 0 : index
    %swap3A_140 = arith.constant 768 : index
    %swap3A_141 = vector.load %arg2[%swap3A_139, %swap3A_140] : memref<8x1024xf32, #tpu.memory_space<vmem>>, vector<8x128xf32>
    tpu.vector_store %arg2[%swap3A_139, %swap3A_140], %scan3A_134#3 {strides = array<i32>} : memref<8x1024xf32, #tpu.memory_space<vmem>>, vector<8x128xf32>,
    %swap3A_142 = arith.constant 0 : index
    %swap3A_143 = arith.constant 768 : index
    %swap3A_144 = vector.load %arg3[%swap3A_142, %swap3A_143] : memref<8x1024xf32, #tpu.memory_space<vmem>>, vector<8x128xf32>
    tpu.vector_store %arg3[%swap3A_142, %swap3A_143], %scan3A_134#4 {strides = array<i32>} : memref<8x1024xf32, #tpu.memory_space<vmem>>, vector<8x128xf32>,
    %swap3A_145 = arith.constant 0 : index
    %swap3A_146 = arith.constant 768 : index
    %swap3A_147 = vector.load %arg4[%swap3A_145, %swap3A_146] : memref<8x1024xf32, #tpu.memory_space<vmem>>, vector<8x128xf32>
    tpu.vector_store %arg4[%swap3A_145, %swap3A_146], %scan3A_134#5 {strides = array<i32>} : memref<8x1024xf32, #tpu.memory_space<vmem>>, vector<8x128xf32>,
    %scan3A_148 = arith.constant 0 : i32
    %scan3A_149 = arith.constant 128 : i32
    %scan3A_150 = arith.addi %scan3A_148, %scan3A_149 : i32
    %scan3A_151 = arith.constant 1 : i32
    %scan3A_152:6 = scf.for %scan3A_166 = %scan3A_148 to %scan3A_150 step %scan3A_151 iter_args(%scan3A_167 = %scan3A_134#0, %scan3A_168 = %scan3A_134#1, %scan3A_169 = %get3A_20, %scan3A_170 = %get3A_23, %scan3A_171 = %get3A_23, %scan3A_172 = %get3A_23) -> (vector<8x2048xf32>, vector<8x1xi32>, vector<8x128xi32>, vector<8x128xf32>, vector<8x128xf32>, vector<8x128xf32>)  : i32 {
      %eq3A = vector.broadcast %scan3A_168 : vector<8x1xi32> to vector<8x2048xi32>
      %eq3A_173 = arith.cmpi eq, %iota3A, %eq3A : vector<8x2048xi32>
      %jit3A = arith.constant 0.000000e+00 : f32
      %broadcast_in_dim3A_174 = vector.broadcast %jit3A : f32 to vector<8x2048xf32>
      %select_n3A = arith.select %eq3A_173, %get3A_3, %broadcast_in_dim3A_174 : vector<8x2048xi1>, vector<8x2048xf32>
      %reduce_sum3A = arith.constant dense<0.000000e+00> : vector<8xf32>
      %reduce_sum3A_175 = vector.multi_reduction <add>, %select_n3A, %reduce_sum3A [1] : vector<8x2048xf32> to vector<8xf32>
      %broadcast_in_dim3A_176 = vector.shape_cast %reduce_sum3A_175 : vector<8xf32> to vector<8x1xf32>
      %jit3A_177 = arith.constant 0.000000e+00 : f32
      %broadcast_in_dim3A_178 = vector.broadcast %jit3A_177 : f32 to vector<8x2048xf32>
      %select_n3A_179 = arith.select %eq3A_173, %get3A_8, %broadcast_in_dim3A_178 : vector<8x2048xi1>, vector<8x2048xf32>
      %reduce_sum3A_180 = arith.constant dense<0.000000e+00> : vector<8xf32>
      %reduce_sum3A_181 = vector.multi_reduction <add>, %select_n3A_179, %reduce_sum3A_180 [1] : vector<8x2048xf32> to vector<8xf32>
      %broadcast_in_dim3A_182 = vector.shape_cast %reduce_sum3A_181 : vector<8xf32> to vector<8x1xf32>
      %jit3A_183 = arith.constant 0.000000e+00 : f32
      %broadcast_in_dim3A_184 = vector.broadcast %jit3A_183 : f32 to vector<8x2048xf32>
      %select_n3A_185 = arith.select %eq3A_173, %get3A_13, %broadcast_in_dim3A_184 : vector<8x2048xi1>, vector<8x2048xf32>
      %reduce_sum3A_186 = arith.constant dense<0.000000e+00> : vector<8xf32>
      %reduce_sum3A_187 = vector.multi_reduction <add>, %select_n3A_185, %reduce_sum3A_186 [1] : vector<8x2048xf32> to vector<8xf32>
      %broadcast_in_dim3A_188 = vector.shape_cast %reduce_sum3A_187 : vector<8xf32> to vector<8x1xf32>
      %eq3A_189 = vector.broadcast %scan3A_166 : i32 to vector<8x128xi32>
      %eq3A_190 = arith.cmpi eq, %iota3A_14, %eq3A_189 : vector<8x128xi32>
      %broadcast_in_dim3A_191 = vector.shape_cast %scan3A_168 : vector<8x1xi32> to vector<8x1xi32>
      %broadcast_in_dim3A_192 = vector.broadcast %broadcast_in_dim3A_191 : vector<8x1xi32> to vector<8x128xi32>
      %select_n3A_193 = arith.select %eq3A_190, %broadcast_in_dim3A_192, %scan3A_169 : vector<8x128xi1>, vector<8x128xi32>
      %broadcast_in_dim3A_194 = vector.shape_cast %broadcast_in_dim3A_176 : vector<8x1xf32> to vector<8x1xf32>
      %broadcast_in_dim3A_195 = vector.broadcast %broadcast_in_dim3A_194 : vector<8x1xf32> to vector<8x128xf32>
      %select_n3A_196 = arith.select %eq3A_190, %broadcast_in_dim3A_195, %scan3A_170 : vector<8x128xi1>, vector<8x128xf32>
      %broadcast_in_dim3A_197 = vector.shape_cast %broadcast_in_dim3A_182 : vector<8x1xf32> to vector<8x1xf32>
      %broadcast_in_dim3A_198 = vector.broadcast %broadcast_in_dim3A_197 : vector<8x1xf32> to vector<8x128xf32>
      %select_n3A_199 = arith.select %eq3A_190, %broadcast_in_dim3A_198, %scan3A_171 : vector<8x128xi1>, vector<8x128xf32>
      %broadcast_in_dim3A_200 = vector.shape_cast %broadcast_in_dim3A_188 : vector<8x1xf32> to vector<8x1xf32>
      %broadcast_in_dim3A_201 = vector.broadcast %broadcast_in_dim3A_200 : vector<8x1xf32> to vector<8x128xf32>
      %select_n3A_202 = arith.select %eq3A_190, %broadcast_in_dim3A_201, %scan3A_172 : vector<8x128xi1>, vector<8x128xf32>
      %sub3A = vector.broadcast %broadcast_in_dim3A_176 : vector<8x1xf32> to vector<8x2048xf32>
      %sub3A_203 = arith.subf %get3A_3, %sub3A : vector<8x2048xf32>
      %integer_pow3A = arith.mulf %sub3A_203, %sub3A_203 : vector<8x2048xf32>
      %sub3A_204 = vector.broadcast %broadcast_in_dim3A_182 : vector<8x1xf32> to vector<8x2048xf32>
      %sub3A_205 = arith.subf %get3A_8, %sub3A_204 : vector<8x2048xf32>
      %integer_pow3A_206 = arith.mulf %sub3A_205, %sub3A_205 : vector<8x2048xf32>
      %add3A = arith.addf %integer_pow3A, %integer_pow3A_206 : vector<8x2048xf32>
      %sub3A_207 = vector.broadcast %broadcast_in_dim3A_188 : vector<8x1xf32> to vector<8x2048xf32>
      %sub3A_208 = arith.subf %get3A_13, %sub3A_207 : vector<8x2048xf32>
      %integer_pow3A_209 = arith.mulf %sub3A_208, %sub3A_208 : vector<8x2048xf32>
      %add3A_210 = arith.addf %add3A, %integer_pow3A_209 : vector<8x2048xf32>
      %min3A = arith.minimumf %scan3A_167, %add3A_210 : vector<8x2048xf32>
      %reduce_max3A = arith.constant dense<0xFF800000> : vector<8xf32>
      %reduce_max3A_211 = vector.multi_reduction <maximumf>, %min3A, %reduce_max3A [1] : vector<8x2048xf32> to vector<8xf32>
      %broadcast_in_dim3A_212 = vector.shape_cast %reduce_max3A_211 : vector<8xf32> to vector<8x1xf32>
      %eq3A_213 = vector.broadcast %broadcast_in_dim3A_212 : vector<8x1xf32> to vector<8x2048xf32>
      %eq3A_214 = arith.cmpf oeq, %min3A, %eq3A_213 : vector<8x2048xf32>
      %jit3A_215 = arith.constant 2048 : i32
      %broadcast_in_dim3A_216 = vector.broadcast %jit3A_215 : i32 to vector<8x2048xi32>
      %select_n3A_217 = arith.select %eq3A_214, %iota3A, %broadcast_in_dim3A_216 : vector<8x2048xi1>, vector<8x2048xi32>
      %reduce_min3A = arith.constant dense<2147483647> : vector<8xi32>
      %reduce_min3A_218 = vector.multi_reduction <minsi>, %select_n3A_217, %reduce_min3A [1] : vector<8x2048xi32> to vector<8xi32>
      %broadcast_in_dim3A_219 = vector.shape_cast %reduce_min3A_218 : vector<8xi32> to vector<8x1xi32>
      scf.yield %min3A, %broadcast_in_dim3A_219, %select_n3A_193, %select_n3A_196, %select_n3A_199, %select_n3A_202 : vector<8x2048xf32>, vector<8x1xi32>, vector<8x128xi32>, vector<8x128xf32>, vector<8x128xf32>, vector<8x128xf32>
    }
    %scan3A_153 = arith.constant 128 : i32
    %swap3A_154 = arith.constant 0 : index
    %swap3A_155 = arith.constant 896 : index
    %swap3A_156 = vector.load %arg1[%swap3A_154, %swap3A_155] : memref<8x1024xi32, #tpu.memory_space<vmem>>, vector<8x128xi32>
    tpu.vector_store %arg1[%swap3A_154, %swap3A_155], %scan3A_152#2 {strides = array<i32>} : memref<8x1024xi32, #tpu.memory_space<vmem>>, vector<8x128xi32>,
    %swap3A_157 = arith.constant 0 : index
    %swap3A_158 = arith.constant 896 : index
    %swap3A_159 = vector.load %arg2[%swap3A_157, %swap3A_158] : memref<8x1024xf32, #tpu.memory_space<vmem>>, vector<8x128xf32>
    tpu.vector_store %arg2[%swap3A_157, %swap3A_158], %scan3A_152#3 {strides = array<i32>} : memref<8x1024xf32, #tpu.memory_space<vmem>>, vector<8x128xf32>,
    %swap3A_160 = arith.constant 0 : index
    %swap3A_161 = arith.constant 896 : index
    %swap3A_162 = vector.load %arg3[%swap3A_160, %swap3A_161] : memref<8x1024xf32, #tpu.memory_space<vmem>>, vector<8x128xf32>
    tpu.vector_store %arg3[%swap3A_160, %swap3A_161], %scan3A_152#4 {strides = array<i32>} : memref<8x1024xf32, #tpu.memory_space<vmem>>, vector<8x128xf32>,
    %swap3A_163 = arith.constant 0 : index
    %swap3A_164 = arith.constant 896 : index
    %swap3A_165 = vector.load %arg4[%swap3A_163, %swap3A_164] : memref<8x1024xf32, #tpu.memory_space<vmem>>, vector<8x128xf32>
    tpu.vector_store %arg4[%swap3A_163, %swap3A_164], %scan3A_152#5 {strides = array<i32>} : memref<8x1024xf32, #tpu.memory_space<vmem>>, vector<8x128xf32>,
    return
  }
}

module attributes {stable_mosaic.version = 14 : i64} {
  func.func @_fps_body(%arg0: memref<8x3x1024xf32, #tpu.memory_space<vmem>>, %arg1: memref<8x512xi32, #tpu.memory_space<vmem>>, %arg2: memref<8x512xf32, #tpu.memory_space<vmem>>, %arg3: memref<8x512xf32, #tpu.memory_space<vmem>>, %arg4: memref<8x512xf32, #tpu.memory_space<vmem>>) attributes {dimension_semantics = [], scalar_prefetch = 0 : i64, scratch_operands = 0 : i64, tpu.core_type = #tpu.core_type<tc>} {
    %get3A = arith.constant 0 : index
    %get3A_0 = arith.constant 0 : index
    %get3A_1 = arith.constant 0 : index
    %get3A_2 = vector.load %arg0[%get3A, %get3A_0, %get3A_1] : memref<8x3x1024xf32, #tpu.memory_space<vmem>>, vector<8x1x1024xf32>
    %get3A_3 = vector.shape_cast %get3A_2 : vector<8x1x1024xf32> to vector<8x1024xf32>
    %get3A_4 = arith.constant 0 : index
    %get3A_5 = arith.constant 1 : index
    %get3A_6 = arith.constant 0 : index
    %get3A_7 = vector.load %arg0[%get3A_4, %get3A_5, %get3A_6] : memref<8x3x1024xf32, #tpu.memory_space<vmem>>, vector<8x1x1024xf32>
    %get3A_8 = vector.shape_cast %get3A_7 : vector<8x1x1024xf32> to vector<8x1024xf32>
    %get3A_9 = arith.constant 0 : index
    %get3A_10 = arith.constant 2 : index
    %get3A_11 = arith.constant 0 : index
    %get3A_12 = vector.load %arg0[%get3A_9, %get3A_10, %get3A_11] : memref<8x3x1024xf32, #tpu.memory_space<vmem>>, vector<8x1x1024xf32>
    %get3A_13 = vector.shape_cast %get3A_12 : vector<8x1x1024xf32> to vector<8x1024xf32>
    %iota3A = tpu.iota {dimensions = array<i32: 1>} : vector<8x1024xi32>
    %iota3A_14 = tpu.iota {dimensions = array<i32: 1>} : vector<8x128xi32>
    %broadcast_in_dim3A = arith.constant 1.000000e+10 : f32
    %broadcast_in_dim3A_15 = vector.broadcast %broadcast_in_dim3A : f32 to vector<8x1024xf32>
    %broadcast_in_dim3A_16 = arith.constant 0 : i32
    %broadcast_in_dim3A_17 = vector.broadcast %broadcast_in_dim3A_16 : i32 to vector<8x1xi32>
    %get3A_18 = arith.constant 0 : index
    %get3A_19 = arith.constant 0 : index
    %get3A_20 = vector.load %arg1[%get3A_18, %get3A_19] : memref<8x512xi32, #tpu.memory_space<vmem>>, vector<8x128xi32>
    %get3A_21 = arith.constant 0 : index
    %get3A_22 = arith.constant 0 : index
    %get3A_23 = vector.load %arg2[%get3A_21, %get3A_22] : memref<8x512xf32, #tpu.memory_space<vmem>>, vector<8x128xf32>
    %scan3A = arith.constant 0 : i32
    %scan3A_24 = arith.constant 128 : i32
    %scan3A_25 = arith.addi %scan3A, %scan3A_24 : i32
    %scan3A_26 = arith.constant 1 : i32
    %scan3A_27:6 = scf.for %scan3A_94 = %scan3A to %scan3A_25 step %scan3A_26 iter_args(%scan3A_95 = %broadcast_in_dim3A_15, %scan3A_96 = %broadcast_in_dim3A_17, %scan3A_97 = %get3A_20, %scan3A_98 = %get3A_23, %scan3A_99 = %get3A_23, %scan3A_100 = %get3A_23) -> (vector<8x1024xf32>, vector<8x1xi32>, vector<8x128xi32>, vector<8x128xf32>, vector<8x128xf32>, vector<8x128xf32>)  : i32 {
      %eq3A = vector.broadcast %scan3A_96 : vector<8x1xi32> to vector<8x1024xi32>
      %eq3A_101 = arith.cmpi eq, %iota3A, %eq3A : vector<8x1024xi32>
      %jit3A = arith.constant 0.000000e+00 : f32
      %broadcast_in_dim3A_102 = vector.broadcast %jit3A : f32 to vector<8x1024xf32>
      %select_n3A = arith.select %eq3A_101, %get3A_3, %broadcast_in_dim3A_102 : vector<8x1024xi1>, vector<8x1024xf32>
      %reduce_sum3A = arith.constant dense<0.000000e+00> : vector<8xf32>
      %reduce_sum3A_103 = vector.multi_reduction <add>, %select_n3A, %reduce_sum3A [1] : vector<8x1024xf32> to vector<8xf32>
      %broadcast_in_dim3A_104 = vector.shape_cast %reduce_sum3A_103 : vector<8xf32> to vector<8x1xf32>
      %jit3A_105 = arith.constant 0.000000e+00 : f32
      %broadcast_in_dim3A_106 = vector.broadcast %jit3A_105 : f32 to vector<8x1024xf32>
      %select_n3A_107 = arith.select %eq3A_101, %get3A_8, %broadcast_in_dim3A_106 : vector<8x1024xi1>, vector<8x1024xf32>
      %reduce_sum3A_108 = arith.constant dense<0.000000e+00> : vector<8xf32>
      %reduce_sum3A_109 = vector.multi_reduction <add>, %select_n3A_107, %reduce_sum3A_108 [1] : vector<8x1024xf32> to vector<8xf32>
      %broadcast_in_dim3A_110 = vector.shape_cast %reduce_sum3A_109 : vector<8xf32> to vector<8x1xf32>
      %jit3A_111 = arith.constant 0.000000e+00 : f32
      %broadcast_in_dim3A_112 = vector.broadcast %jit3A_111 : f32 to vector<8x1024xf32>
      %select_n3A_113 = arith.select %eq3A_101, %get3A_13, %broadcast_in_dim3A_112 : vector<8x1024xi1>, vector<8x1024xf32>
      %reduce_sum3A_114 = arith.constant dense<0.000000e+00> : vector<8xf32>
      %reduce_sum3A_115 = vector.multi_reduction <add>, %select_n3A_113, %reduce_sum3A_114 [1] : vector<8x1024xf32> to vector<8xf32>
      %broadcast_in_dim3A_116 = vector.shape_cast %reduce_sum3A_115 : vector<8xf32> to vector<8x1xf32>
      %eq3A_117 = vector.broadcast %scan3A_94 : i32 to vector<8x128xi32>
      %eq3A_118 = arith.cmpi eq, %iota3A_14, %eq3A_117 : vector<8x128xi32>
      %broadcast_in_dim3A_119 = vector.shape_cast %scan3A_96 : vector<8x1xi32> to vector<8x1xi32>
      %broadcast_in_dim3A_120 = vector.broadcast %broadcast_in_dim3A_119 : vector<8x1xi32> to vector<8x128xi32>
      %select_n3A_121 = arith.select %eq3A_118, %broadcast_in_dim3A_120, %scan3A_97 : vector<8x128xi1>, vector<8x128xi32>
      %broadcast_in_dim3A_122 = vector.shape_cast %broadcast_in_dim3A_104 : vector<8x1xf32> to vector<8x1xf32>
      %broadcast_in_dim3A_123 = vector.broadcast %broadcast_in_dim3A_122 : vector<8x1xf32> to vector<8x128xf32>
      %select_n3A_124 = arith.select %eq3A_118, %broadcast_in_dim3A_123, %scan3A_98 : vector<8x128xi1>, vector<8x128xf32>
      %broadcast_in_dim3A_125 = vector.shape_cast %broadcast_in_dim3A_110 : vector<8x1xf32> to vector<8x1xf32>
      %broadcast_in_dim3A_126 = vector.broadcast %broadcast_in_dim3A_125 : vector<8x1xf32> to vector<8x128xf32>
      %select_n3A_127 = arith.select %eq3A_118, %broadcast_in_dim3A_126, %scan3A_99 : vector<8x128xi1>, vector<8x128xf32>
      %broadcast_in_dim3A_128 = vector.shape_cast %broadcast_in_dim3A_116 : vector<8x1xf32> to vector<8x1xf32>
      %broadcast_in_dim3A_129 = vector.broadcast %broadcast_in_dim3A_128 : vector<8x1xf32> to vector<8x128xf32>
      %select_n3A_130 = arith.select %eq3A_118, %broadcast_in_dim3A_129, %scan3A_100 : vector<8x128xi1>, vector<8x128xf32>
      %sub3A = vector.broadcast %broadcast_in_dim3A_104 : vector<8x1xf32> to vector<8x1024xf32>
      %sub3A_131 = arith.subf %get3A_3, %sub3A : vector<8x1024xf32>
      %integer_pow3A = arith.mulf %sub3A_131, %sub3A_131 : vector<8x1024xf32>
      %sub3A_132 = vector.broadcast %broadcast_in_dim3A_110 : vector<8x1xf32> to vector<8x1024xf32>
      %sub3A_133 = arith.subf %get3A_8, %sub3A_132 : vector<8x1024xf32>
      %integer_pow3A_134 = arith.mulf %sub3A_133, %sub3A_133 : vector<8x1024xf32>
      %add3A = arith.addf %integer_pow3A, %integer_pow3A_134 : vector<8x1024xf32>
      %sub3A_135 = vector.broadcast %broadcast_in_dim3A_116 : vector<8x1xf32> to vector<8x1024xf32>
      %sub3A_136 = arith.subf %get3A_13, %sub3A_135 : vector<8x1024xf32>
      %integer_pow3A_137 = arith.mulf %sub3A_136, %sub3A_136 : vector<8x1024xf32>
      %add3A_138 = arith.addf %add3A, %integer_pow3A_137 : vector<8x1024xf32>
      %min3A = arith.minimumf %scan3A_95, %add3A_138 : vector<8x1024xf32>
      %reduce_max3A = arith.constant dense<0xFF800000> : vector<8xf32>
      %reduce_max3A_139 = vector.multi_reduction <maximumf>, %min3A, %reduce_max3A [1] : vector<8x1024xf32> to vector<8xf32>
      %broadcast_in_dim3A_140 = vector.shape_cast %reduce_max3A_139 : vector<8xf32> to vector<8x1xf32>
      %eq3A_141 = vector.broadcast %broadcast_in_dim3A_140 : vector<8x1xf32> to vector<8x1024xf32>
      %eq3A_142 = arith.cmpf oeq, %min3A, %eq3A_141 : vector<8x1024xf32>
      %jit3A_143 = arith.constant 1024 : i32
      %broadcast_in_dim3A_144 = vector.broadcast %jit3A_143 : i32 to vector<8x1024xi32>
      %select_n3A_145 = arith.select %eq3A_142, %iota3A, %broadcast_in_dim3A_144 : vector<8x1024xi1>, vector<8x1024xi32>
      %reduce_min3A = arith.constant dense<2147483647> : vector<8xi32>
      %reduce_min3A_146 = vector.multi_reduction <minsi>, %select_n3A_145, %reduce_min3A [1] : vector<8x1024xi32> to vector<8xi32>
      %broadcast_in_dim3A_147 = vector.shape_cast %reduce_min3A_146 : vector<8xi32> to vector<8x1xi32>
      scf.yield %min3A, %broadcast_in_dim3A_147, %select_n3A_121, %select_n3A_124, %select_n3A_127, %select_n3A_130 : vector<8x1024xf32>, vector<8x1xi32>, vector<8x128xi32>, vector<8x128xf32>, vector<8x128xf32>, vector<8x128xf32>
    }
    %scan3A_28 = arith.constant 128 : i32
    %swap3A = arith.constant 0 : index
    %swap3A_29 = arith.constant 0 : index
    %swap3A_30 = vector.load %arg1[%swap3A, %swap3A_29] : memref<8x512xi32, #tpu.memory_space<vmem>>, vector<8x128xi32>
    tpu.vector_store %arg1[%swap3A, %swap3A_29], %scan3A_27#2 {strides = array<i32>} : memref<8x512xi32, #tpu.memory_space<vmem>>, vector<8x128xi32>,
    %swap3A_31 = arith.constant 0 : index
    %swap3A_32 = arith.constant 0 : index
    %swap3A_33 = vector.load %arg2[%swap3A_31, %swap3A_32] : memref<8x512xf32, #tpu.memory_space<vmem>>, vector<8x128xf32>
    tpu.vector_store %arg2[%swap3A_31, %swap3A_32], %scan3A_27#3 {strides = array<i32>} : memref<8x512xf32, #tpu.memory_space<vmem>>, vector<8x128xf32>,
    %swap3A_34 = arith.constant 0 : index
    %swap3A_35 = arith.constant 0 : index
    %swap3A_36 = vector.load %arg3[%swap3A_34, %swap3A_35] : memref<8x512xf32, #tpu.memory_space<vmem>>, vector<8x128xf32>
    tpu.vector_store %arg3[%swap3A_34, %swap3A_35], %scan3A_27#4 {strides = array<i32>} : memref<8x512xf32, #tpu.memory_space<vmem>>, vector<8x128xf32>,
    %swap3A_37 = arith.constant 0 : index
    %swap3A_38 = arith.constant 0 : index
    %swap3A_39 = vector.load %arg4[%swap3A_37, %swap3A_38] : memref<8x512xf32, #tpu.memory_space<vmem>>, vector<8x128xf32>
    tpu.vector_store %arg4[%swap3A_37, %swap3A_38], %scan3A_27#5 {strides = array<i32>} : memref<8x512xf32, #tpu.memory_space<vmem>>, vector<8x128xf32>,
    %scan3A_40 = arith.constant 0 : i32
    %scan3A_41 = arith.constant 128 : i32
    %scan3A_42 = arith.addi %scan3A_40, %scan3A_41 : i32
    %scan3A_43 = arith.constant 1 : i32
    %scan3A_44:6 = scf.for %scan3A_94 = %scan3A_40 to %scan3A_42 step %scan3A_43 iter_args(%scan3A_95 = %scan3A_27#0, %scan3A_96 = %scan3A_27#1, %scan3A_97 = %get3A_20, %scan3A_98 = %get3A_23, %scan3A_99 = %get3A_23, %scan3A_100 = %get3A_23) -> (vector<8x1024xf32>, vector<8x1xi32>, vector<8x128xi32>, vector<8x128xf32>, vector<8x128xf32>, vector<8x128xf32>)  : i32 {
      %eq3A = vector.broadcast %scan3A_96 : vector<8x1xi32> to vector<8x1024xi32>
      %eq3A_101 = arith.cmpi eq, %iota3A, %eq3A : vector<8x1024xi32>
      %jit3A = arith.constant 0.000000e+00 : f32
      %broadcast_in_dim3A_102 = vector.broadcast %jit3A : f32 to vector<8x1024xf32>
      %select_n3A = arith.select %eq3A_101, %get3A_3, %broadcast_in_dim3A_102 : vector<8x1024xi1>, vector<8x1024xf32>
      %reduce_sum3A = arith.constant dense<0.000000e+00> : vector<8xf32>
      %reduce_sum3A_103 = vector.multi_reduction <add>, %select_n3A, %reduce_sum3A [1] : vector<8x1024xf32> to vector<8xf32>
      %broadcast_in_dim3A_104 = vector.shape_cast %reduce_sum3A_103 : vector<8xf32> to vector<8x1xf32>
      %jit3A_105 = arith.constant 0.000000e+00 : f32
      %broadcast_in_dim3A_106 = vector.broadcast %jit3A_105 : f32 to vector<8x1024xf32>
      %select_n3A_107 = arith.select %eq3A_101, %get3A_8, %broadcast_in_dim3A_106 : vector<8x1024xi1>, vector<8x1024xf32>
      %reduce_sum3A_108 = arith.constant dense<0.000000e+00> : vector<8xf32>
      %reduce_sum3A_109 = vector.multi_reduction <add>, %select_n3A_107, %reduce_sum3A_108 [1] : vector<8x1024xf32> to vector<8xf32>
      %broadcast_in_dim3A_110 = vector.shape_cast %reduce_sum3A_109 : vector<8xf32> to vector<8x1xf32>
      %jit3A_111 = arith.constant 0.000000e+00 : f32
      %broadcast_in_dim3A_112 = vector.broadcast %jit3A_111 : f32 to vector<8x1024xf32>
      %select_n3A_113 = arith.select %eq3A_101, %get3A_13, %broadcast_in_dim3A_112 : vector<8x1024xi1>, vector<8x1024xf32>
      %reduce_sum3A_114 = arith.constant dense<0.000000e+00> : vector<8xf32>
      %reduce_sum3A_115 = vector.multi_reduction <add>, %select_n3A_113, %reduce_sum3A_114 [1] : vector<8x1024xf32> to vector<8xf32>
      %broadcast_in_dim3A_116 = vector.shape_cast %reduce_sum3A_115 : vector<8xf32> to vector<8x1xf32>
      %eq3A_117 = vector.broadcast %scan3A_94 : i32 to vector<8x128xi32>
      %eq3A_118 = arith.cmpi eq, %iota3A_14, %eq3A_117 : vector<8x128xi32>
      %broadcast_in_dim3A_119 = vector.shape_cast %scan3A_96 : vector<8x1xi32> to vector<8x1xi32>
      %broadcast_in_dim3A_120 = vector.broadcast %broadcast_in_dim3A_119 : vector<8x1xi32> to vector<8x128xi32>
      %select_n3A_121 = arith.select %eq3A_118, %broadcast_in_dim3A_120, %scan3A_97 : vector<8x128xi1>, vector<8x128xi32>
      %broadcast_in_dim3A_122 = vector.shape_cast %broadcast_in_dim3A_104 : vector<8x1xf32> to vector<8x1xf32>
      %broadcast_in_dim3A_123 = vector.broadcast %broadcast_in_dim3A_122 : vector<8x1xf32> to vector<8x128xf32>
      %select_n3A_124 = arith.select %eq3A_118, %broadcast_in_dim3A_123, %scan3A_98 : vector<8x128xi1>, vector<8x128xf32>
      %broadcast_in_dim3A_125 = vector.shape_cast %broadcast_in_dim3A_110 : vector<8x1xf32> to vector<8x1xf32>
      %broadcast_in_dim3A_126 = vector.broadcast %broadcast_in_dim3A_125 : vector<8x1xf32> to vector<8x128xf32>
      %select_n3A_127 = arith.select %eq3A_118, %broadcast_in_dim3A_126, %scan3A_99 : vector<8x128xi1>, vector<8x128xf32>
      %broadcast_in_dim3A_128 = vector.shape_cast %broadcast_in_dim3A_116 : vector<8x1xf32> to vector<8x1xf32>
      %broadcast_in_dim3A_129 = vector.broadcast %broadcast_in_dim3A_128 : vector<8x1xf32> to vector<8x128xf32>
      %select_n3A_130 = arith.select %eq3A_118, %broadcast_in_dim3A_129, %scan3A_100 : vector<8x128xi1>, vector<8x128xf32>
      %sub3A = vector.broadcast %broadcast_in_dim3A_104 : vector<8x1xf32> to vector<8x1024xf32>
      %sub3A_131 = arith.subf %get3A_3, %sub3A : vector<8x1024xf32>
      %integer_pow3A = arith.mulf %sub3A_131, %sub3A_131 : vector<8x1024xf32>
      %sub3A_132 = vector.broadcast %broadcast_in_dim3A_110 : vector<8x1xf32> to vector<8x1024xf32>
      %sub3A_133 = arith.subf %get3A_8, %sub3A_132 : vector<8x1024xf32>
      %integer_pow3A_134 = arith.mulf %sub3A_133, %sub3A_133 : vector<8x1024xf32>
      %add3A = arith.addf %integer_pow3A, %integer_pow3A_134 : vector<8x1024xf32>
      %sub3A_135 = vector.broadcast %broadcast_in_dim3A_116 : vector<8x1xf32> to vector<8x1024xf32>
      %sub3A_136 = arith.subf %get3A_13, %sub3A_135 : vector<8x1024xf32>
      %integer_pow3A_137 = arith.mulf %sub3A_136, %sub3A_136 : vector<8x1024xf32>
      %add3A_138 = arith.addf %add3A, %integer_pow3A_137 : vector<8x1024xf32>
      %min3A = arith.minimumf %scan3A_95, %add3A_138 : vector<8x1024xf32>
      %reduce_max3A = arith.constant dense<0xFF800000> : vector<8xf32>
      %reduce_max3A_139 = vector.multi_reduction <maximumf>, %min3A, %reduce_max3A [1] : vector<8x1024xf32> to vector<8xf32>
      %broadcast_in_dim3A_140 = vector.shape_cast %reduce_max3A_139 : vector<8xf32> to vector<8x1xf32>
      %eq3A_141 = vector.broadcast %broadcast_in_dim3A_140 : vector<8x1xf32> to vector<8x1024xf32>
      %eq3A_142 = arith.cmpf oeq, %min3A, %eq3A_141 : vector<8x1024xf32>
      %jit3A_143 = arith.constant 1024 : i32
      %broadcast_in_dim3A_144 = vector.broadcast %jit3A_143 : i32 to vector<8x1024xi32>
      %select_n3A_145 = arith.select %eq3A_142, %iota3A, %broadcast_in_dim3A_144 : vector<8x1024xi1>, vector<8x1024xi32>
      %reduce_min3A = arith.constant dense<2147483647> : vector<8xi32>
      %reduce_min3A_146 = vector.multi_reduction <minsi>, %select_n3A_145, %reduce_min3A [1] : vector<8x1024xi32> to vector<8xi32>
      %broadcast_in_dim3A_147 = vector.shape_cast %reduce_min3A_146 : vector<8xi32> to vector<8x1xi32>
      scf.yield %min3A, %broadcast_in_dim3A_147, %select_n3A_121, %select_n3A_124, %select_n3A_127, %select_n3A_130 : vector<8x1024xf32>, vector<8x1xi32>, vector<8x128xi32>, vector<8x128xf32>, vector<8x128xf32>, vector<8x128xf32>
    }
    %scan3A_45 = arith.constant 128 : i32
    %swap3A_46 = arith.constant 0 : index
    %swap3A_47 = arith.constant 128 : index
    %swap3A_48 = vector.load %arg1[%swap3A_46, %swap3A_47] : memref<8x512xi32, #tpu.memory_space<vmem>>, vector<8x128xi32>
    tpu.vector_store %arg1[%swap3A_46, %swap3A_47], %scan3A_44#2 {strides = array<i32>} : memref<8x512xi32, #tpu.memory_space<vmem>>, vector<8x128xi32>,
    %swap3A_49 = arith.constant 0 : index
    %swap3A_50 = arith.constant 128 : index
    %swap3A_51 = vector.load %arg2[%swap3A_49, %swap3A_50] : memref<8x512xf32, #tpu.memory_space<vmem>>, vector<8x128xf32>
    tpu.vector_store %arg2[%swap3A_49, %swap3A_50], %scan3A_44#3 {strides = array<i32>} : memref<8x512xf32, #tpu.memory_space<vmem>>, vector<8x128xf32>,
    %swap3A_52 = arith.constant 0 : index
    %swap3A_53 = arith.constant 128 : index
    %swap3A_54 = vector.load %arg3[%swap3A_52, %swap3A_53] : memref<8x512xf32, #tpu.memory_space<vmem>>, vector<8x128xf32>
    tpu.vector_store %arg3[%swap3A_52, %swap3A_53], %scan3A_44#4 {strides = array<i32>} : memref<8x512xf32, #tpu.memory_space<vmem>>, vector<8x128xf32>,
    %swap3A_55 = arith.constant 0 : index
    %swap3A_56 = arith.constant 128 : index
    %swap3A_57 = vector.load %arg4[%swap3A_55, %swap3A_56] : memref<8x512xf32, #tpu.memory_space<vmem>>, vector<8x128xf32>
    tpu.vector_store %arg4[%swap3A_55, %swap3A_56], %scan3A_44#5 {strides = array<i32>} : memref<8x512xf32, #tpu.memory_space<vmem>>, vector<8x128xf32>,
    %scan3A_58 = arith.constant 0 : i32
    %scan3A_59 = arith.constant 128 : i32
    %scan3A_60 = arith.addi %scan3A_58, %scan3A_59 : i32
    %scan3A_61 = arith.constant 1 : i32
    %scan3A_62:6 = scf.for %scan3A_94 = %scan3A_58 to %scan3A_60 step %scan3A_61 iter_args(%scan3A_95 = %scan3A_44#0, %scan3A_96 = %scan3A_44#1, %scan3A_97 = %get3A_20, %scan3A_98 = %get3A_23, %scan3A_99 = %get3A_23, %scan3A_100 = %get3A_23) -> (vector<8x1024xf32>, vector<8x1xi32>, vector<8x128xi32>, vector<8x128xf32>, vector<8x128xf32>, vector<8x128xf32>)  : i32 {
      %eq3A = vector.broadcast %scan3A_96 : vector<8x1xi32> to vector<8x1024xi32>
      %eq3A_101 = arith.cmpi eq, %iota3A, %eq3A : vector<8x1024xi32>
      %jit3A = arith.constant 0.000000e+00 : f32
      %broadcast_in_dim3A_102 = vector.broadcast %jit3A : f32 to vector<8x1024xf32>
      %select_n3A = arith.select %eq3A_101, %get3A_3, %broadcast_in_dim3A_102 : vector<8x1024xi1>, vector<8x1024xf32>
      %reduce_sum3A = arith.constant dense<0.000000e+00> : vector<8xf32>
      %reduce_sum3A_103 = vector.multi_reduction <add>, %select_n3A, %reduce_sum3A [1] : vector<8x1024xf32> to vector<8xf32>
      %broadcast_in_dim3A_104 = vector.shape_cast %reduce_sum3A_103 : vector<8xf32> to vector<8x1xf32>
      %jit3A_105 = arith.constant 0.000000e+00 : f32
      %broadcast_in_dim3A_106 = vector.broadcast %jit3A_105 : f32 to vector<8x1024xf32>
      %select_n3A_107 = arith.select %eq3A_101, %get3A_8, %broadcast_in_dim3A_106 : vector<8x1024xi1>, vector<8x1024xf32>
      %reduce_sum3A_108 = arith.constant dense<0.000000e+00> : vector<8xf32>
      %reduce_sum3A_109 = vector.multi_reduction <add>, %select_n3A_107, %reduce_sum3A_108 [1] : vector<8x1024xf32> to vector<8xf32>
      %broadcast_in_dim3A_110 = vector.shape_cast %reduce_sum3A_109 : vector<8xf32> to vector<8x1xf32>
      %jit3A_111 = arith.constant 0.000000e+00 : f32
      %broadcast_in_dim3A_112 = vector.broadcast %jit3A_111 : f32 to vector<8x1024xf32>
      %select_n3A_113 = arith.select %eq3A_101, %get3A_13, %broadcast_in_dim3A_112 : vector<8x1024xi1>, vector<8x1024xf32>
      %reduce_sum3A_114 = arith.constant dense<0.000000e+00> : vector<8xf32>
      %reduce_sum3A_115 = vector.multi_reduction <add>, %select_n3A_113, %reduce_sum3A_114 [1] : vector<8x1024xf32> to vector<8xf32>
      %broadcast_in_dim3A_116 = vector.shape_cast %reduce_sum3A_115 : vector<8xf32> to vector<8x1xf32>
      %eq3A_117 = vector.broadcast %scan3A_94 : i32 to vector<8x128xi32>
      %eq3A_118 = arith.cmpi eq, %iota3A_14, %eq3A_117 : vector<8x128xi32>
      %broadcast_in_dim3A_119 = vector.shape_cast %scan3A_96 : vector<8x1xi32> to vector<8x1xi32>
      %broadcast_in_dim3A_120 = vector.broadcast %broadcast_in_dim3A_119 : vector<8x1xi32> to vector<8x128xi32>
      %select_n3A_121 = arith.select %eq3A_118, %broadcast_in_dim3A_120, %scan3A_97 : vector<8x128xi1>, vector<8x128xi32>
      %broadcast_in_dim3A_122 = vector.shape_cast %broadcast_in_dim3A_104 : vector<8x1xf32> to vector<8x1xf32>
      %broadcast_in_dim3A_123 = vector.broadcast %broadcast_in_dim3A_122 : vector<8x1xf32> to vector<8x128xf32>
      %select_n3A_124 = arith.select %eq3A_118, %broadcast_in_dim3A_123, %scan3A_98 : vector<8x128xi1>, vector<8x128xf32>
      %broadcast_in_dim3A_125 = vector.shape_cast %broadcast_in_dim3A_110 : vector<8x1xf32> to vector<8x1xf32>
      %broadcast_in_dim3A_126 = vector.broadcast %broadcast_in_dim3A_125 : vector<8x1xf32> to vector<8x128xf32>
      %select_n3A_127 = arith.select %eq3A_118, %broadcast_in_dim3A_126, %scan3A_99 : vector<8x128xi1>, vector<8x128xf32>
      %broadcast_in_dim3A_128 = vector.shape_cast %broadcast_in_dim3A_116 : vector<8x1xf32> to vector<8x1xf32>
      %broadcast_in_dim3A_129 = vector.broadcast %broadcast_in_dim3A_128 : vector<8x1xf32> to vector<8x128xf32>
      %select_n3A_130 = arith.select %eq3A_118, %broadcast_in_dim3A_129, %scan3A_100 : vector<8x128xi1>, vector<8x128xf32>
      %sub3A = vector.broadcast %broadcast_in_dim3A_104 : vector<8x1xf32> to vector<8x1024xf32>
      %sub3A_131 = arith.subf %get3A_3, %sub3A : vector<8x1024xf32>
      %integer_pow3A = arith.mulf %sub3A_131, %sub3A_131 : vector<8x1024xf32>
      %sub3A_132 = vector.broadcast %broadcast_in_dim3A_110 : vector<8x1xf32> to vector<8x1024xf32>
      %sub3A_133 = arith.subf %get3A_8, %sub3A_132 : vector<8x1024xf32>
      %integer_pow3A_134 = arith.mulf %sub3A_133, %sub3A_133 : vector<8x1024xf32>
      %add3A = arith.addf %integer_pow3A, %integer_pow3A_134 : vector<8x1024xf32>
      %sub3A_135 = vector.broadcast %broadcast_in_dim3A_116 : vector<8x1xf32> to vector<8x1024xf32>
      %sub3A_136 = arith.subf %get3A_13, %sub3A_135 : vector<8x1024xf32>
      %integer_pow3A_137 = arith.mulf %sub3A_136, %sub3A_136 : vector<8x1024xf32>
      %add3A_138 = arith.addf %add3A, %integer_pow3A_137 : vector<8x1024xf32>
      %min3A = arith.minimumf %scan3A_95, %add3A_138 : vector<8x1024xf32>
      %reduce_max3A = arith.constant dense<0xFF800000> : vector<8xf32>
      %reduce_max3A_139 = vector.multi_reduction <maximumf>, %min3A, %reduce_max3A [1] : vector<8x1024xf32> to vector<8xf32>
      %broadcast_in_dim3A_140 = vector.shape_cast %reduce_max3A_139 : vector<8xf32> to vector<8x1xf32>
      %eq3A_141 = vector.broadcast %broadcast_in_dim3A_140 : vector<8x1xf32> to vector<8x1024xf32>
      %eq3A_142 = arith.cmpf oeq, %min3A, %eq3A_141 : vector<8x1024xf32>
      %jit3A_143 = arith.constant 1024 : i32
      %broadcast_in_dim3A_144 = vector.broadcast %jit3A_143 : i32 to vector<8x1024xi32>
      %select_n3A_145 = arith.select %eq3A_142, %iota3A, %broadcast_in_dim3A_144 : vector<8x1024xi1>, vector<8x1024xi32>
      %reduce_min3A = arith.constant dense<2147483647> : vector<8xi32>
      %reduce_min3A_146 = vector.multi_reduction <minsi>, %select_n3A_145, %reduce_min3A [1] : vector<8x1024xi32> to vector<8xi32>
      %broadcast_in_dim3A_147 = vector.shape_cast %reduce_min3A_146 : vector<8xi32> to vector<8x1xi32>
      scf.yield %min3A, %broadcast_in_dim3A_147, %select_n3A_121, %select_n3A_124, %select_n3A_127, %select_n3A_130 : vector<8x1024xf32>, vector<8x1xi32>, vector<8x128xi32>, vector<8x128xf32>, vector<8x128xf32>, vector<8x128xf32>
    }
    %scan3A_63 = arith.constant 128 : i32
    %swap3A_64 = arith.constant 0 : index
    %swap3A_65 = arith.constant 256 : index
    %swap3A_66 = vector.load %arg1[%swap3A_64, %swap3A_65] : memref<8x512xi32, #tpu.memory_space<vmem>>, vector<8x128xi32>
    tpu.vector_store %arg1[%swap3A_64, %swap3A_65], %scan3A_62#2 {strides = array<i32>} : memref<8x512xi32, #tpu.memory_space<vmem>>, vector<8x128xi32>,
    %swap3A_67 = arith.constant 0 : index
    %swap3A_68 = arith.constant 256 : index
    %swap3A_69 = vector.load %arg2[%swap3A_67, %swap3A_68] : memref<8x512xf32, #tpu.memory_space<vmem>>, vector<8x128xf32>
    tpu.vector_store %arg2[%swap3A_67, %swap3A_68], %scan3A_62#3 {strides = array<i32>} : memref<8x512xf32, #tpu.memory_space<vmem>>, vector<8x128xf32>,
    %swap3A_70 = arith.constant 0 : index
    %swap3A_71 = arith.constant 256 : index
    %swap3A_72 = vector.load %arg3[%swap3A_70, %swap3A_71] : memref<8x512xf32, #tpu.memory_space<vmem>>, vector<8x128xf32>
    tpu.vector_store %arg3[%swap3A_70, %swap3A_71], %scan3A_62#4 {strides = array<i32>} : memref<8x512xf32, #tpu.memory_space<vmem>>, vector<8x128xf32>,
    %swap3A_73 = arith.constant 0 : index
    %swap3A_74 = arith.constant 256 : index
    %swap3A_75 = vector.load %arg4[%swap3A_73, %swap3A_74] : memref<8x512xf32, #tpu.memory_space<vmem>>, vector<8x128xf32>
    tpu.vector_store %arg4[%swap3A_73, %swap3A_74], %scan3A_62#5 {strides = array<i32>} : memref<8x512xf32, #tpu.memory_space<vmem>>, vector<8x128xf32>,
    %scan3A_76 = arith.constant 0 : i32
    %scan3A_77 = arith.constant 128 : i32
    %scan3A_78 = arith.addi %scan3A_76, %scan3A_77 : i32
    %scan3A_79 = arith.constant 1 : i32
    %scan3A_80:6 = scf.for %scan3A_94 = %scan3A_76 to %scan3A_78 step %scan3A_79 iter_args(%scan3A_95 = %scan3A_62#0, %scan3A_96 = %scan3A_62#1, %scan3A_97 = %get3A_20, %scan3A_98 = %get3A_23, %scan3A_99 = %get3A_23, %scan3A_100 = %get3A_23) -> (vector<8x1024xf32>, vector<8x1xi32>, vector<8x128xi32>, vector<8x128xf32>, vector<8x128xf32>, vector<8x128xf32>)  : i32 {
      %eq3A = vector.broadcast %scan3A_96 : vector<8x1xi32> to vector<8x1024xi32>
      %eq3A_101 = arith.cmpi eq, %iota3A, %eq3A : vector<8x1024xi32>
      %jit3A = arith.constant 0.000000e+00 : f32
      %broadcast_in_dim3A_102 = vector.broadcast %jit3A : f32 to vector<8x1024xf32>
      %select_n3A = arith.select %eq3A_101, %get3A_3, %broadcast_in_dim3A_102 : vector<8x1024xi1>, vector<8x1024xf32>
      %reduce_sum3A = arith.constant dense<0.000000e+00> : vector<8xf32>
      %reduce_sum3A_103 = vector.multi_reduction <add>, %select_n3A, %reduce_sum3A [1] : vector<8x1024xf32> to vector<8xf32>
      %broadcast_in_dim3A_104 = vector.shape_cast %reduce_sum3A_103 : vector<8xf32> to vector<8x1xf32>
      %jit3A_105 = arith.constant 0.000000e+00 : f32
      %broadcast_in_dim3A_106 = vector.broadcast %jit3A_105 : f32 to vector<8x1024xf32>
      %select_n3A_107 = arith.select %eq3A_101, %get3A_8, %broadcast_in_dim3A_106 : vector<8x1024xi1>, vector<8x1024xf32>
      %reduce_sum3A_108 = arith.constant dense<0.000000e+00> : vector<8xf32>
      %reduce_sum3A_109 = vector.multi_reduction <add>, %select_n3A_107, %reduce_sum3A_108 [1] : vector<8x1024xf32> to vector<8xf32>
      %broadcast_in_dim3A_110 = vector.shape_cast %reduce_sum3A_109 : vector<8xf32> to vector<8x1xf32>
      %jit3A_111 = arith.constant 0.000000e+00 : f32
      %broadcast_in_dim3A_112 = vector.broadcast %jit3A_111 : f32 to vector<8x1024xf32>
      %select_n3A_113 = arith.select %eq3A_101, %get3A_13, %broadcast_in_dim3A_112 : vector<8x1024xi1>, vector<8x1024xf32>
      %reduce_sum3A_114 = arith.constant dense<0.000000e+00> : vector<8xf32>
      %reduce_sum3A_115 = vector.multi_reduction <add>, %select_n3A_113, %reduce_sum3A_114 [1] : vector<8x1024xf32> to vector<8xf32>
      %broadcast_in_dim3A_116 = vector.shape_cast %reduce_sum3A_115 : vector<8xf32> to vector<8x1xf32>
      %eq3A_117 = vector.broadcast %scan3A_94 : i32 to vector<8x128xi32>
      %eq3A_118 = arith.cmpi eq, %iota3A_14, %eq3A_117 : vector<8x128xi32>
      %broadcast_in_dim3A_119 = vector.shape_cast %scan3A_96 : vector<8x1xi32> to vector<8x1xi32>
      %broadcast_in_dim3A_120 = vector.broadcast %broadcast_in_dim3A_119 : vector<8x1xi32> to vector<8x128xi32>
      %select_n3A_121 = arith.select %eq3A_118, %broadcast_in_dim3A_120, %scan3A_97 : vector<8x128xi1>, vector<8x128xi32>
      %broadcast_in_dim3A_122 = vector.shape_cast %broadcast_in_dim3A_104 : vector<8x1xf32> to vector<8x1xf32>
      %broadcast_in_dim3A_123 = vector.broadcast %broadcast_in_dim3A_122 : vector<8x1xf32> to vector<8x128xf32>
      %select_n3A_124 = arith.select %eq3A_118, %broadcast_in_dim3A_123, %scan3A_98 : vector<8x128xi1>, vector<8x128xf32>
      %broadcast_in_dim3A_125 = vector.shape_cast %broadcast_in_dim3A_110 : vector<8x1xf32> to vector<8x1xf32>
      %broadcast_in_dim3A_126 = vector.broadcast %broadcast_in_dim3A_125 : vector<8x1xf32> to vector<8x128xf32>
      %select_n3A_127 = arith.select %eq3A_118, %broadcast_in_dim3A_126, %scan3A_99 : vector<8x128xi1>, vector<8x128xf32>
      %broadcast_in_dim3A_128 = vector.shape_cast %broadcast_in_dim3A_116 : vector<8x1xf32> to vector<8x1xf32>
      %broadcast_in_dim3A_129 = vector.broadcast %broadcast_in_dim3A_128 : vector<8x1xf32> to vector<8x128xf32>
      %select_n3A_130 = arith.select %eq3A_118, %broadcast_in_dim3A_129, %scan3A_100 : vector<8x128xi1>, vector<8x128xf32>
      %sub3A = vector.broadcast %broadcast_in_dim3A_104 : vector<8x1xf32> to vector<8x1024xf32>
      %sub3A_131 = arith.subf %get3A_3, %sub3A : vector<8x1024xf32>
      %integer_pow3A = arith.mulf %sub3A_131, %sub3A_131 : vector<8x1024xf32>
      %sub3A_132 = vector.broadcast %broadcast_in_dim3A_110 : vector<8x1xf32> to vector<8x1024xf32>
      %sub3A_133 = arith.subf %get3A_8, %sub3A_132 : vector<8x1024xf32>
      %integer_pow3A_134 = arith.mulf %sub3A_133, %sub3A_133 : vector<8x1024xf32>
      %add3A = arith.addf %integer_pow3A, %integer_pow3A_134 : vector<8x1024xf32>
      %sub3A_135 = vector.broadcast %broadcast_in_dim3A_116 : vector<8x1xf32> to vector<8x1024xf32>
      %sub3A_136 = arith.subf %get3A_13, %sub3A_135 : vector<8x1024xf32>
      %integer_pow3A_137 = arith.mulf %sub3A_136, %sub3A_136 : vector<8x1024xf32>
      %add3A_138 = arith.addf %add3A, %integer_pow3A_137 : vector<8x1024xf32>
      %min3A = arith.minimumf %scan3A_95, %add3A_138 : vector<8x1024xf32>
      %reduce_max3A = arith.constant dense<0xFF800000> : vector<8xf32>
      %reduce_max3A_139 = vector.multi_reduction <maximumf>, %min3A, %reduce_max3A [1] : vector<8x1024xf32> to vector<8xf32>
      %broadcast_in_dim3A_140 = vector.shape_cast %reduce_max3A_139 : vector<8xf32> to vector<8x1xf32>
      %eq3A_141 = vector.broadcast %broadcast_in_dim3A_140 : vector<8x1xf32> to vector<8x1024xf32>
      %eq3A_142 = arith.cmpf oeq, %min3A, %eq3A_141 : vector<8x1024xf32>
      %jit3A_143 = arith.constant 1024 : i32
      %broadcast_in_dim3A_144 = vector.broadcast %jit3A_143 : i32 to vector<8x1024xi32>
      %select_n3A_145 = arith.select %eq3A_142, %iota3A, %broadcast_in_dim3A_144 : vector<8x1024xi1>, vector<8x1024xi32>
      %reduce_min3A = arith.constant dense<2147483647> : vector<8xi32>
      %reduce_min3A_146 = vector.multi_reduction <minsi>, %select_n3A_145, %reduce_min3A [1] : vector<8x1024xi32> to vector<8xi32>
      %broadcast_in_dim3A_147 = vector.shape_cast %reduce_min3A_146 : vector<8xi32> to vector<8x1xi32>
      scf.yield %min3A, %broadcast_in_dim3A_147, %select_n3A_121, %select_n3A_124, %select_n3A_127, %select_n3A_130 : vector<8x1024xf32>, vector<8x1xi32>, vector<8x128xi32>, vector<8x128xf32>, vector<8x128xf32>, vector<8x128xf32>
    }
    %scan3A_81 = arith.constant 128 : i32
    %swap3A_82 = arith.constant 0 : index
    %swap3A_83 = arith.constant 384 : index
    %swap3A_84 = vector.load %arg1[%swap3A_82, %swap3A_83] : memref<8x512xi32, #tpu.memory_space<vmem>>, vector<8x128xi32>
    tpu.vector_store %arg1[%swap3A_82, %swap3A_83], %scan3A_80#2 {strides = array<i32>} : memref<8x512xi32, #tpu.memory_space<vmem>>, vector<8x128xi32>,
    %swap3A_85 = arith.constant 0 : index
    %swap3A_86 = arith.constant 384 : index
    %swap3A_87 = vector.load %arg2[%swap3A_85, %swap3A_86] : memref<8x512xf32, #tpu.memory_space<vmem>>, vector<8x128xf32>
    tpu.vector_store %arg2[%swap3A_85, %swap3A_86], %scan3A_80#3 {strides = array<i32>} : memref<8x512xf32, #tpu.memory_space<vmem>>, vector<8x128xf32>,
    %swap3A_88 = arith.constant 0 : index
    %swap3A_89 = arith.constant 384 : index
    %swap3A_90 = vector.load %arg3[%swap3A_88, %swap3A_89] : memref<8x512xf32, #tpu.memory_space<vmem>>, vector<8x128xf32>
    tpu.vector_store %arg3[%swap3A_88, %swap3A_89], %scan3A_80#4 {strides = array<i32>} : memref<8x512xf32, #tpu.memory_space<vmem>>, vector<8x128xf32>,
    %swap3A_91 = arith.constant 0 : index
    %swap3A_92 = arith.constant 384 : index
    %swap3A_93 = vector.load %arg4[%swap3A_91, %swap3A_92] : memref<8x512xf32, #tpu.memory_space<vmem>>, vector<8x128xf32>
    tpu.vector_store %arg4[%swap3A_91, %swap3A_92], %scan3A_80#5 {strides = array<i32>} : memref<8x512xf32, #tpu.memory_space<vmem>>, vector<8x128xf32>,
    return
  }
}

module attributes {stable_mosaic.version = 14 : i64} {
  func.func @_fps_body(%arg0: memref<8x3x512xf32, #tpu.memory_space<vmem>>, %arg1: memref<8x256xi32, #tpu.memory_space<vmem>>, %arg2: memref<8x256xf32, #tpu.memory_space<vmem>>, %arg3: memref<8x256xf32, #tpu.memory_space<vmem>>, %arg4: memref<8x256xf32, #tpu.memory_space<vmem>>) attributes {dimension_semantics = [], scalar_prefetch = 0 : i64, scratch_operands = 0 : i64, tpu.core_type = #tpu.core_type<tc>} {
    %get3A = arith.constant 0 : index
    %get3A_0 = arith.constant 0 : index
    %get3A_1 = arith.constant 0 : index
    %get3A_2 = vector.load %arg0[%get3A, %get3A_0, %get3A_1] : memref<8x3x512xf32, #tpu.memory_space<vmem>>, vector<8x1x512xf32>
    %get3A_3 = vector.shape_cast %get3A_2 : vector<8x1x512xf32> to vector<8x512xf32>
    %get3A_4 = arith.constant 0 : index
    %get3A_5 = arith.constant 1 : index
    %get3A_6 = arith.constant 0 : index
    %get3A_7 = vector.load %arg0[%get3A_4, %get3A_5, %get3A_6] : memref<8x3x512xf32, #tpu.memory_space<vmem>>, vector<8x1x512xf32>
    %get3A_8 = vector.shape_cast %get3A_7 : vector<8x1x512xf32> to vector<8x512xf32>
    %get3A_9 = arith.constant 0 : index
    %get3A_10 = arith.constant 2 : index
    %get3A_11 = arith.constant 0 : index
    %get3A_12 = vector.load %arg0[%get3A_9, %get3A_10, %get3A_11] : memref<8x3x512xf32, #tpu.memory_space<vmem>>, vector<8x1x512xf32>
    %get3A_13 = vector.shape_cast %get3A_12 : vector<8x1x512xf32> to vector<8x512xf32>
    %iota3A = tpu.iota {dimensions = array<i32: 1>} : vector<8x512xi32>
    %iota3A_14 = tpu.iota {dimensions = array<i32: 1>} : vector<8x128xi32>
    %broadcast_in_dim3A = arith.constant 1.000000e+10 : f32
    %broadcast_in_dim3A_15 = vector.broadcast %broadcast_in_dim3A : f32 to vector<8x512xf32>
    %broadcast_in_dim3A_16 = arith.constant 0 : i32
    %broadcast_in_dim3A_17 = vector.broadcast %broadcast_in_dim3A_16 : i32 to vector<8x1xi32>
    %get3A_18 = arith.constant 0 : index
    %get3A_19 = arith.constant 0 : index
    %get3A_20 = vector.load %arg1[%get3A_18, %get3A_19] : memref<8x256xi32, #tpu.memory_space<vmem>>, vector<8x128xi32>
    %get3A_21 = arith.constant 0 : index
    %get3A_22 = arith.constant 0 : index
    %get3A_23 = vector.load %arg2[%get3A_21, %get3A_22] : memref<8x256xf32, #tpu.memory_space<vmem>>, vector<8x128xf32>
    %scan3A = arith.constant 0 : i32
    %scan3A_24 = arith.constant 128 : i32
    %scan3A_25 = arith.addi %scan3A, %scan3A_24 : i32
    %scan3A_26 = arith.constant 1 : i32
    %scan3A_27:6 = scf.for %scan3A_58 = %scan3A to %scan3A_25 step %scan3A_26 iter_args(%scan3A_59 = %broadcast_in_dim3A_15, %scan3A_60 = %broadcast_in_dim3A_17, %scan3A_61 = %get3A_20, %scan3A_62 = %get3A_23, %scan3A_63 = %get3A_23, %scan3A_64 = %get3A_23) -> (vector<8x512xf32>, vector<8x1xi32>, vector<8x128xi32>, vector<8x128xf32>, vector<8x128xf32>, vector<8x128xf32>)  : i32 {
      %eq3A = vector.broadcast %scan3A_60 : vector<8x1xi32> to vector<8x512xi32>
      %eq3A_65 = arith.cmpi eq, %iota3A, %eq3A : vector<8x512xi32>
      %jit3A = arith.constant 0.000000e+00 : f32
      %broadcast_in_dim3A_66 = vector.broadcast %jit3A : f32 to vector<8x512xf32>
      %select_n3A = arith.select %eq3A_65, %get3A_3, %broadcast_in_dim3A_66 : vector<8x512xi1>, vector<8x512xf32>
      %reduce_sum3A = arith.constant dense<0.000000e+00> : vector<8xf32>
      %reduce_sum3A_67 = vector.multi_reduction <add>, %select_n3A, %reduce_sum3A [1] : vector<8x512xf32> to vector<8xf32>
      %broadcast_in_dim3A_68 = vector.shape_cast %reduce_sum3A_67 : vector<8xf32> to vector<8x1xf32>
      %jit3A_69 = arith.constant 0.000000e+00 : f32
      %broadcast_in_dim3A_70 = vector.broadcast %jit3A_69 : f32 to vector<8x512xf32>
      %select_n3A_71 = arith.select %eq3A_65, %get3A_8, %broadcast_in_dim3A_70 : vector<8x512xi1>, vector<8x512xf32>
      %reduce_sum3A_72 = arith.constant dense<0.000000e+00> : vector<8xf32>
      %reduce_sum3A_73 = vector.multi_reduction <add>, %select_n3A_71, %reduce_sum3A_72 [1] : vector<8x512xf32> to vector<8xf32>
      %broadcast_in_dim3A_74 = vector.shape_cast %reduce_sum3A_73 : vector<8xf32> to vector<8x1xf32>
      %jit3A_75 = arith.constant 0.000000e+00 : f32
      %broadcast_in_dim3A_76 = vector.broadcast %jit3A_75 : f32 to vector<8x512xf32>
      %select_n3A_77 = arith.select %eq3A_65, %get3A_13, %broadcast_in_dim3A_76 : vector<8x512xi1>, vector<8x512xf32>
      %reduce_sum3A_78 = arith.constant dense<0.000000e+00> : vector<8xf32>
      %reduce_sum3A_79 = vector.multi_reduction <add>, %select_n3A_77, %reduce_sum3A_78 [1] : vector<8x512xf32> to vector<8xf32>
      %broadcast_in_dim3A_80 = vector.shape_cast %reduce_sum3A_79 : vector<8xf32> to vector<8x1xf32>
      %eq3A_81 = vector.broadcast %scan3A_58 : i32 to vector<8x128xi32>
      %eq3A_82 = arith.cmpi eq, %iota3A_14, %eq3A_81 : vector<8x128xi32>
      %broadcast_in_dim3A_83 = vector.shape_cast %scan3A_60 : vector<8x1xi32> to vector<8x1xi32>
      %broadcast_in_dim3A_84 = vector.broadcast %broadcast_in_dim3A_83 : vector<8x1xi32> to vector<8x128xi32>
      %select_n3A_85 = arith.select %eq3A_82, %broadcast_in_dim3A_84, %scan3A_61 : vector<8x128xi1>, vector<8x128xi32>
      %broadcast_in_dim3A_86 = vector.shape_cast %broadcast_in_dim3A_68 : vector<8x1xf32> to vector<8x1xf32>
      %broadcast_in_dim3A_87 = vector.broadcast %broadcast_in_dim3A_86 : vector<8x1xf32> to vector<8x128xf32>
      %select_n3A_88 = arith.select %eq3A_82, %broadcast_in_dim3A_87, %scan3A_62 : vector<8x128xi1>, vector<8x128xf32>
      %broadcast_in_dim3A_89 = vector.shape_cast %broadcast_in_dim3A_74 : vector<8x1xf32> to vector<8x1xf32>
      %broadcast_in_dim3A_90 = vector.broadcast %broadcast_in_dim3A_89 : vector<8x1xf32> to vector<8x128xf32>
      %select_n3A_91 = arith.select %eq3A_82, %broadcast_in_dim3A_90, %scan3A_63 : vector<8x128xi1>, vector<8x128xf32>
      %broadcast_in_dim3A_92 = vector.shape_cast %broadcast_in_dim3A_80 : vector<8x1xf32> to vector<8x1xf32>
      %broadcast_in_dim3A_93 = vector.broadcast %broadcast_in_dim3A_92 : vector<8x1xf32> to vector<8x128xf32>
      %select_n3A_94 = arith.select %eq3A_82, %broadcast_in_dim3A_93, %scan3A_64 : vector<8x128xi1>, vector<8x128xf32>
      %sub3A = vector.broadcast %broadcast_in_dim3A_68 : vector<8x1xf32> to vector<8x512xf32>
      %sub3A_95 = arith.subf %get3A_3, %sub3A : vector<8x512xf32>
      %integer_pow3A = arith.mulf %sub3A_95, %sub3A_95 : vector<8x512xf32>
      %sub3A_96 = vector.broadcast %broadcast_in_dim3A_74 : vector<8x1xf32> to vector<8x512xf32>
      %sub3A_97 = arith.subf %get3A_8, %sub3A_96 : vector<8x512xf32>
      %integer_pow3A_98 = arith.mulf %sub3A_97, %sub3A_97 : vector<8x512xf32>
      %add3A = arith.addf %integer_pow3A, %integer_pow3A_98 : vector<8x512xf32>
      %sub3A_99 = vector.broadcast %broadcast_in_dim3A_80 : vector<8x1xf32> to vector<8x512xf32>
      %sub3A_100 = arith.subf %get3A_13, %sub3A_99 : vector<8x512xf32>
      %integer_pow3A_101 = arith.mulf %sub3A_100, %sub3A_100 : vector<8x512xf32>
      %add3A_102 = arith.addf %add3A, %integer_pow3A_101 : vector<8x512xf32>
      %min3A = arith.minimumf %scan3A_59, %add3A_102 : vector<8x512xf32>
      %reduce_max3A = arith.constant dense<0xFF800000> : vector<8xf32>
      %reduce_max3A_103 = vector.multi_reduction <maximumf>, %min3A, %reduce_max3A [1] : vector<8x512xf32> to vector<8xf32>
      %broadcast_in_dim3A_104 = vector.shape_cast %reduce_max3A_103 : vector<8xf32> to vector<8x1xf32>
      %eq3A_105 = vector.broadcast %broadcast_in_dim3A_104 : vector<8x1xf32> to vector<8x512xf32>
      %eq3A_106 = arith.cmpf oeq, %min3A, %eq3A_105 : vector<8x512xf32>
      %jit3A_107 = arith.constant 512 : i32
      %broadcast_in_dim3A_108 = vector.broadcast %jit3A_107 : i32 to vector<8x512xi32>
      %select_n3A_109 = arith.select %eq3A_106, %iota3A, %broadcast_in_dim3A_108 : vector<8x512xi1>, vector<8x512xi32>
      %reduce_min3A = arith.constant dense<2147483647> : vector<8xi32>
      %reduce_min3A_110 = vector.multi_reduction <minsi>, %select_n3A_109, %reduce_min3A [1] : vector<8x512xi32> to vector<8xi32>
      %broadcast_in_dim3A_111 = vector.shape_cast %reduce_min3A_110 : vector<8xi32> to vector<8x1xi32>
      scf.yield %min3A, %broadcast_in_dim3A_111, %select_n3A_85, %select_n3A_88, %select_n3A_91, %select_n3A_94 : vector<8x512xf32>, vector<8x1xi32>, vector<8x128xi32>, vector<8x128xf32>, vector<8x128xf32>, vector<8x128xf32>
    }
    %scan3A_28 = arith.constant 128 : i32
    %swap3A = arith.constant 0 : index
    %swap3A_29 = arith.constant 0 : index
    %swap3A_30 = vector.load %arg1[%swap3A, %swap3A_29] : memref<8x256xi32, #tpu.memory_space<vmem>>, vector<8x128xi32>
    tpu.vector_store %arg1[%swap3A, %swap3A_29], %scan3A_27#2 {strides = array<i32>} : memref<8x256xi32, #tpu.memory_space<vmem>>, vector<8x128xi32>,
    %swap3A_31 = arith.constant 0 : index
    %swap3A_32 = arith.constant 0 : index
    %swap3A_33 = vector.load %arg2[%swap3A_31, %swap3A_32] : memref<8x256xf32, #tpu.memory_space<vmem>>, vector<8x128xf32>
    tpu.vector_store %arg2[%swap3A_31, %swap3A_32], %scan3A_27#3 {strides = array<i32>} : memref<8x256xf32, #tpu.memory_space<vmem>>, vector<8x128xf32>,
    %swap3A_34 = arith.constant 0 : index
    %swap3A_35 = arith.constant 0 : index
    %swap3A_36 = vector.load %arg3[%swap3A_34, %swap3A_35] : memref<8x256xf32, #tpu.memory_space<vmem>>, vector<8x128xf32>
    tpu.vector_store %arg3[%swap3A_34, %swap3A_35], %scan3A_27#4 {strides = array<i32>} : memref<8x256xf32, #tpu.memory_space<vmem>>, vector<8x128xf32>,
    %swap3A_37 = arith.constant 0 : index
    %swap3A_38 = arith.constant 0 : index
    %swap3A_39 = vector.load %arg4[%swap3A_37, %swap3A_38] : memref<8x256xf32, #tpu.memory_space<vmem>>, vector<8x128xf32>
    tpu.vector_store %arg4[%swap3A_37, %swap3A_38], %scan3A_27#5 {strides = array<i32>} : memref<8x256xf32, #tpu.memory_space<vmem>>, vector<8x128xf32>,
    %scan3A_40 = arith.constant 0 : i32
    %scan3A_41 = arith.constant 128 : i32
    %scan3A_42 = arith.addi %scan3A_40, %scan3A_41 : i32
    %scan3A_43 = arith.constant 1 : i32
    %scan3A_44:6 = scf.for %scan3A_58 = %scan3A_40 to %scan3A_42 step %scan3A_43 iter_args(%scan3A_59 = %scan3A_27#0, %scan3A_60 = %scan3A_27#1, %scan3A_61 = %get3A_20, %scan3A_62 = %get3A_23, %scan3A_63 = %get3A_23, %scan3A_64 = %get3A_23) -> (vector<8x512xf32>, vector<8x1xi32>, vector<8x128xi32>, vector<8x128xf32>, vector<8x128xf32>, vector<8x128xf32>)  : i32 {
      %eq3A = vector.broadcast %scan3A_60 : vector<8x1xi32> to vector<8x512xi32>
      %eq3A_65 = arith.cmpi eq, %iota3A, %eq3A : vector<8x512xi32>
      %jit3A = arith.constant 0.000000e+00 : f32
      %broadcast_in_dim3A_66 = vector.broadcast %jit3A : f32 to vector<8x512xf32>
      %select_n3A = arith.select %eq3A_65, %get3A_3, %broadcast_in_dim3A_66 : vector<8x512xi1>, vector<8x512xf32>
      %reduce_sum3A = arith.constant dense<0.000000e+00> : vector<8xf32>
      %reduce_sum3A_67 = vector.multi_reduction <add>, %select_n3A, %reduce_sum3A [1] : vector<8x512xf32> to vector<8xf32>
      %broadcast_in_dim3A_68 = vector.shape_cast %reduce_sum3A_67 : vector<8xf32> to vector<8x1xf32>
      %jit3A_69 = arith.constant 0.000000e+00 : f32
      %broadcast_in_dim3A_70 = vector.broadcast %jit3A_69 : f32 to vector<8x512xf32>
      %select_n3A_71 = arith.select %eq3A_65, %get3A_8, %broadcast_in_dim3A_70 : vector<8x512xi1>, vector<8x512xf32>
      %reduce_sum3A_72 = arith.constant dense<0.000000e+00> : vector<8xf32>
      %reduce_sum3A_73 = vector.multi_reduction <add>, %select_n3A_71, %reduce_sum3A_72 [1] : vector<8x512xf32> to vector<8xf32>
      %broadcast_in_dim3A_74 = vector.shape_cast %reduce_sum3A_73 : vector<8xf32> to vector<8x1xf32>
      %jit3A_75 = arith.constant 0.000000e+00 : f32
      %broadcast_in_dim3A_76 = vector.broadcast %jit3A_75 : f32 to vector<8x512xf32>
      %select_n3A_77 = arith.select %eq3A_65, %get3A_13, %broadcast_in_dim3A_76 : vector<8x512xi1>, vector<8x512xf32>
      %reduce_sum3A_78 = arith.constant dense<0.000000e+00> : vector<8xf32>
      %reduce_sum3A_79 = vector.multi_reduction <add>, %select_n3A_77, %reduce_sum3A_78 [1] : vector<8x512xf32> to vector<8xf32>
      %broadcast_in_dim3A_80 = vector.shape_cast %reduce_sum3A_79 : vector<8xf32> to vector<8x1xf32>
      %eq3A_81 = vector.broadcast %scan3A_58 : i32 to vector<8x128xi32>
      %eq3A_82 = arith.cmpi eq, %iota3A_14, %eq3A_81 : vector<8x128xi32>
      %broadcast_in_dim3A_83 = vector.shape_cast %scan3A_60 : vector<8x1xi32> to vector<8x1xi32>
      %broadcast_in_dim3A_84 = vector.broadcast %broadcast_in_dim3A_83 : vector<8x1xi32> to vector<8x128xi32>
      %select_n3A_85 = arith.select %eq3A_82, %broadcast_in_dim3A_84, %scan3A_61 : vector<8x128xi1>, vector<8x128xi32>
      %broadcast_in_dim3A_86 = vector.shape_cast %broadcast_in_dim3A_68 : vector<8x1xf32> to vector<8x1xf32>
      %broadcast_in_dim3A_87 = vector.broadcast %broadcast_in_dim3A_86 : vector<8x1xf32> to vector<8x128xf32>
      %select_n3A_88 = arith.select %eq3A_82, %broadcast_in_dim3A_87, %scan3A_62 : vector<8x128xi1>, vector<8x128xf32>
      %broadcast_in_dim3A_89 = vector.shape_cast %broadcast_in_dim3A_74 : vector<8x1xf32> to vector<8x1xf32>
      %broadcast_in_dim3A_90 = vector.broadcast %broadcast_in_dim3A_89 : vector<8x1xf32> to vector<8x128xf32>
      %select_n3A_91 = arith.select %eq3A_82, %broadcast_in_dim3A_90, %scan3A_63 : vector<8x128xi1>, vector<8x128xf32>
      %broadcast_in_dim3A_92 = vector.shape_cast %broadcast_in_dim3A_80 : vector<8x1xf32> to vector<8x1xf32>
      %broadcast_in_dim3A_93 = vector.broadcast %broadcast_in_dim3A_92 : vector<8x1xf32> to vector<8x128xf32>
      %select_n3A_94 = arith.select %eq3A_82, %broadcast_in_dim3A_93, %scan3A_64 : vector<8x128xi1>, vector<8x128xf32>
      %sub3A = vector.broadcast %broadcast_in_dim3A_68 : vector<8x1xf32> to vector<8x512xf32>
      %sub3A_95 = arith.subf %get3A_3, %sub3A : vector<8x512xf32>
      %integer_pow3A = arith.mulf %sub3A_95, %sub3A_95 : vector<8x512xf32>
      %sub3A_96 = vector.broadcast %broadcast_in_dim3A_74 : vector<8x1xf32> to vector<8x512xf32>
      %sub3A_97 = arith.subf %get3A_8, %sub3A_96 : vector<8x512xf32>
      %integer_pow3A_98 = arith.mulf %sub3A_97, %sub3A_97 : vector<8x512xf32>
      %add3A = arith.addf %integer_pow3A, %integer_pow3A_98 : vector<8x512xf32>
      %sub3A_99 = vector.broadcast %broadcast_in_dim3A_80 : vector<8x1xf32> to vector<8x512xf32>
      %sub3A_100 = arith.subf %get3A_13, %sub3A_99 : vector<8x512xf32>
      %integer_pow3A_101 = arith.mulf %sub3A_100, %sub3A_100 : vector<8x512xf32>
      %add3A_102 = arith.addf %add3A, %integer_pow3A_101 : vector<8x512xf32>
      %min3A = arith.minimumf %scan3A_59, %add3A_102 : vector<8x512xf32>
      %reduce_max3A = arith.constant dense<0xFF800000> : vector<8xf32>
      %reduce_max3A_103 = vector.multi_reduction <maximumf>, %min3A, %reduce_max3A [1] : vector<8x512xf32> to vector<8xf32>
      %broadcast_in_dim3A_104 = vector.shape_cast %reduce_max3A_103 : vector<8xf32> to vector<8x1xf32>
      %eq3A_105 = vector.broadcast %broadcast_in_dim3A_104 : vector<8x1xf32> to vector<8x512xf32>
      %eq3A_106 = arith.cmpf oeq, %min3A, %eq3A_105 : vector<8x512xf32>
      %jit3A_107 = arith.constant 512 : i32
      %broadcast_in_dim3A_108 = vector.broadcast %jit3A_107 : i32 to vector<8x512xi32>
      %select_n3A_109 = arith.select %eq3A_106, %iota3A, %broadcast_in_dim3A_108 : vector<8x512xi1>, vector<8x512xi32>
      %reduce_min3A = arith.constant dense<2147483647> : vector<8xi32>
      %reduce_min3A_110 = vector.multi_reduction <minsi>, %select_n3A_109, %reduce_min3A [1] : vector<8x512xi32> to vector<8xi32>
      %broadcast_in_dim3A_111 = vector.shape_cast %reduce_min3A_110 : vector<8xi32> to vector<8x1xi32>
      scf.yield %min3A, %broadcast_in_dim3A_111, %select_n3A_85, %select_n3A_88, %select_n3A_91, %select_n3A_94 : vector<8x512xf32>, vector<8x1xi32>, vector<8x128xi32>, vector<8x128xf32>, vector<8x128xf32>, vector<8x128xf32>
    }
    %scan3A_45 = arith.constant 128 : i32
    %swap3A_46 = arith.constant 0 : index
    %swap3A_47 = arith.constant 128 : index
    %swap3A_48 = vector.load %arg1[%swap3A_46, %swap3A_47] : memref<8x256xi32, #tpu.memory_space<vmem>>, vector<8x128xi32>
    tpu.vector_store %arg1[%swap3A_46, %swap3A_47], %scan3A_44#2 {strides = array<i32>} : memref<8x256xi32, #tpu.memory_space<vmem>>, vector<8x128xi32>,
    %swap3A_49 = arith.constant 0 : index
    %swap3A_50 = arith.constant 128 : index
    %swap3A_51 = vector.load %arg2[%swap3A_49, %swap3A_50] : memref<8x256xf32, #tpu.memory_space<vmem>>, vector<8x128xf32>
    tpu.vector_store %arg2[%swap3A_49, %swap3A_50], %scan3A_44#3 {strides = array<i32>} : memref<8x256xf32, #tpu.memory_space<vmem>>, vector<8x128xf32>,
    %swap3A_52 = arith.constant 0 : index
    %swap3A_53 = arith.constant 128 : index
    %swap3A_54 = vector.load %arg3[%swap3A_52, %swap3A_53] : memref<8x256xf32, #tpu.memory_space<vmem>>, vector<8x128xf32>
    tpu.vector_store %arg3[%swap3A_52, %swap3A_53], %scan3A_44#4 {strides = array<i32>} : memref<8x256xf32, #tpu.memory_space<vmem>>, vector<8x128xf32>,
    %swap3A_55 = arith.constant 0 : index
    %swap3A_56 = arith.constant 128 : index
    %swap3A_57 = vector.load %arg4[%swap3A_55, %swap3A_56] : memref<8x256xf32, #tpu.memory_space<vmem>>, vector<8x128xf32>
    tpu.vector_store %arg4[%swap3A_55, %swap3A_56], %scan3A_44#5 {strides = array<i32>} : memref<8x256xf32, #tpu.memory_space<vmem>>, vector<8x128xf32>,
    return
  }
}

module attributes {stable_mosaic.version = 14 : i64} {
  func.func @_fps_body(%arg0: memref<8x3x256xf32, #tpu.memory_space<vmem>>, %arg1: memref<8x128xi32, #tpu.memory_space<vmem>>, %arg2: memref<8x128xf32, #tpu.memory_space<vmem>>, %arg3: memref<8x128xf32, #tpu.memory_space<vmem>>, %arg4: memref<8x128xf32, #tpu.memory_space<vmem>>) attributes {dimension_semantics = [], scalar_prefetch = 0 : i64, scratch_operands = 0 : i64, tpu.core_type = #tpu.core_type<tc>} {
    %get3A = arith.constant 0 : index
    %get3A_0 = arith.constant 0 : index
    %get3A_1 = arith.constant 0 : index
    %get3A_2 = vector.load %arg0[%get3A, %get3A_0, %get3A_1] : memref<8x3x256xf32, #tpu.memory_space<vmem>>, vector<8x1x256xf32>
    %get3A_3 = vector.shape_cast %get3A_2 : vector<8x1x256xf32> to vector<8x256xf32>
    %get3A_4 = arith.constant 0 : index
    %get3A_5 = arith.constant 1 : index
    %get3A_6 = arith.constant 0 : index
    %get3A_7 = vector.load %arg0[%get3A_4, %get3A_5, %get3A_6] : memref<8x3x256xf32, #tpu.memory_space<vmem>>, vector<8x1x256xf32>
    %get3A_8 = vector.shape_cast %get3A_7 : vector<8x1x256xf32> to vector<8x256xf32>
    %get3A_9 = arith.constant 0 : index
    %get3A_10 = arith.constant 2 : index
    %get3A_11 = arith.constant 0 : index
    %get3A_12 = vector.load %arg0[%get3A_9, %get3A_10, %get3A_11] : memref<8x3x256xf32, #tpu.memory_space<vmem>>, vector<8x1x256xf32>
    %get3A_13 = vector.shape_cast %get3A_12 : vector<8x1x256xf32> to vector<8x256xf32>
    %iota3A = tpu.iota {dimensions = array<i32: 1>} : vector<8x256xi32>
    %iota3A_14 = tpu.iota {dimensions = array<i32: 1>} : vector<8x128xi32>
    %broadcast_in_dim3A = arith.constant 1.000000e+10 : f32
    %broadcast_in_dim3A_15 = vector.broadcast %broadcast_in_dim3A : f32 to vector<8x256xf32>
    %broadcast_in_dim3A_16 = arith.constant 0 : i32
    %broadcast_in_dim3A_17 = vector.broadcast %broadcast_in_dim3A_16 : i32 to vector<8x1xi32>
    %get3A_18 = arith.constant 0 : index
    %get3A_19 = arith.constant 0 : index
    %get3A_20 = vector.load %arg1[%get3A_18, %get3A_19] : memref<8x128xi32, #tpu.memory_space<vmem>>, vector<8x128xi32>
    %get3A_21 = arith.constant 0 : index
    %get3A_22 = arith.constant 0 : index
    %get3A_23 = vector.load %arg2[%get3A_21, %get3A_22] : memref<8x128xf32, #tpu.memory_space<vmem>>, vector<8x128xf32>
    %scan3A = arith.constant 0 : i32
    %scan3A_24 = arith.constant 128 : i32
    %scan3A_25 = arith.addi %scan3A, %scan3A_24 : i32
    %scan3A_26 = arith.constant 1 : i32
    %scan3A_27:6 = scf.for %scan3A_40 = %scan3A to %scan3A_25 step %scan3A_26 iter_args(%scan3A_41 = %broadcast_in_dim3A_15, %scan3A_42 = %broadcast_in_dim3A_17, %scan3A_43 = %get3A_20, %scan3A_44 = %get3A_23, %scan3A_45 = %get3A_23, %scan3A_46 = %get3A_23) -> (vector<8x256xf32>, vector<8x1xi32>, vector<8x128xi32>, vector<8x128xf32>, vector<8x128xf32>, vector<8x128xf32>)  : i32 {
      %eq3A = vector.broadcast %scan3A_42 : vector<8x1xi32> to vector<8x256xi32>
      %eq3A_47 = arith.cmpi eq, %iota3A, %eq3A : vector<8x256xi32>
      %jit3A = arith.constant 0.000000e+00 : f32
      %broadcast_in_dim3A_48 = vector.broadcast %jit3A : f32 to vector<8x256xf32>
      %select_n3A = arith.select %eq3A_47, %get3A_3, %broadcast_in_dim3A_48 : vector<8x256xi1>, vector<8x256xf32>
      %reduce_sum3A = arith.constant dense<0.000000e+00> : vector<8xf32>
      %reduce_sum3A_49 = vector.multi_reduction <add>, %select_n3A, %reduce_sum3A [1] : vector<8x256xf32> to vector<8xf32>
      %broadcast_in_dim3A_50 = vector.shape_cast %reduce_sum3A_49 : vector<8xf32> to vector<8x1xf32>
      %jit3A_51 = arith.constant 0.000000e+00 : f32
      %broadcast_in_dim3A_52 = vector.broadcast %jit3A_51 : f32 to vector<8x256xf32>
      %select_n3A_53 = arith.select %eq3A_47, %get3A_8, %broadcast_in_dim3A_52 : vector<8x256xi1>, vector<8x256xf32>
      %reduce_sum3A_54 = arith.constant dense<0.000000e+00> : vector<8xf32>
      %reduce_sum3A_55 = vector.multi_reduction <add>, %select_n3A_53, %reduce_sum3A_54 [1] : vector<8x256xf32> to vector<8xf32>
      %broadcast_in_dim3A_56 = vector.shape_cast %reduce_sum3A_55 : vector<8xf32> to vector<8x1xf32>
      %jit3A_57 = arith.constant 0.000000e+00 : f32
      %broadcast_in_dim3A_58 = vector.broadcast %jit3A_57 : f32 to vector<8x256xf32>
      %select_n3A_59 = arith.select %eq3A_47, %get3A_13, %broadcast_in_dim3A_58 : vector<8x256xi1>, vector<8x256xf32>
      %reduce_sum3A_60 = arith.constant dense<0.000000e+00> : vector<8xf32>
      %reduce_sum3A_61 = vector.multi_reduction <add>, %select_n3A_59, %reduce_sum3A_60 [1] : vector<8x256xf32> to vector<8xf32>
      %broadcast_in_dim3A_62 = vector.shape_cast %reduce_sum3A_61 : vector<8xf32> to vector<8x1xf32>
      %eq3A_63 = vector.broadcast %scan3A_40 : i32 to vector<8x128xi32>
      %eq3A_64 = arith.cmpi eq, %iota3A_14, %eq3A_63 : vector<8x128xi32>
      %broadcast_in_dim3A_65 = vector.shape_cast %scan3A_42 : vector<8x1xi32> to vector<8x1xi32>
      %broadcast_in_dim3A_66 = vector.broadcast %broadcast_in_dim3A_65 : vector<8x1xi32> to vector<8x128xi32>
      %select_n3A_67 = arith.select %eq3A_64, %broadcast_in_dim3A_66, %scan3A_43 : vector<8x128xi1>, vector<8x128xi32>
      %broadcast_in_dim3A_68 = vector.shape_cast %broadcast_in_dim3A_50 : vector<8x1xf32> to vector<8x1xf32>
      %broadcast_in_dim3A_69 = vector.broadcast %broadcast_in_dim3A_68 : vector<8x1xf32> to vector<8x128xf32>
      %select_n3A_70 = arith.select %eq3A_64, %broadcast_in_dim3A_69, %scan3A_44 : vector<8x128xi1>, vector<8x128xf32>
      %broadcast_in_dim3A_71 = vector.shape_cast %broadcast_in_dim3A_56 : vector<8x1xf32> to vector<8x1xf32>
      %broadcast_in_dim3A_72 = vector.broadcast %broadcast_in_dim3A_71 : vector<8x1xf32> to vector<8x128xf32>
      %select_n3A_73 = arith.select %eq3A_64, %broadcast_in_dim3A_72, %scan3A_45 : vector<8x128xi1>, vector<8x128xf32>
      %broadcast_in_dim3A_74 = vector.shape_cast %broadcast_in_dim3A_62 : vector<8x1xf32> to vector<8x1xf32>
      %broadcast_in_dim3A_75 = vector.broadcast %broadcast_in_dim3A_74 : vector<8x1xf32> to vector<8x128xf32>
      %select_n3A_76 = arith.select %eq3A_64, %broadcast_in_dim3A_75, %scan3A_46 : vector<8x128xi1>, vector<8x128xf32>
      %sub3A = vector.broadcast %broadcast_in_dim3A_50 : vector<8x1xf32> to vector<8x256xf32>
      %sub3A_77 = arith.subf %get3A_3, %sub3A : vector<8x256xf32>
      %integer_pow3A = arith.mulf %sub3A_77, %sub3A_77 : vector<8x256xf32>
      %sub3A_78 = vector.broadcast %broadcast_in_dim3A_56 : vector<8x1xf32> to vector<8x256xf32>
      %sub3A_79 = arith.subf %get3A_8, %sub3A_78 : vector<8x256xf32>
      %integer_pow3A_80 = arith.mulf %sub3A_79, %sub3A_79 : vector<8x256xf32>
      %add3A = arith.addf %integer_pow3A, %integer_pow3A_80 : vector<8x256xf32>
      %sub3A_81 = vector.broadcast %broadcast_in_dim3A_62 : vector<8x1xf32> to vector<8x256xf32>
      %sub3A_82 = arith.subf %get3A_13, %sub3A_81 : vector<8x256xf32>
      %integer_pow3A_83 = arith.mulf %sub3A_82, %sub3A_82 : vector<8x256xf32>
      %add3A_84 = arith.addf %add3A, %integer_pow3A_83 : vector<8x256xf32>
      %min3A = arith.minimumf %scan3A_41, %add3A_84 : vector<8x256xf32>
      %reduce_max3A = arith.constant dense<0xFF800000> : vector<8xf32>
      %reduce_max3A_85 = vector.multi_reduction <maximumf>, %min3A, %reduce_max3A [1] : vector<8x256xf32> to vector<8xf32>
      %broadcast_in_dim3A_86 = vector.shape_cast %reduce_max3A_85 : vector<8xf32> to vector<8x1xf32>
      %eq3A_87 = vector.broadcast %broadcast_in_dim3A_86 : vector<8x1xf32> to vector<8x256xf32>
      %eq3A_88 = arith.cmpf oeq, %min3A, %eq3A_87 : vector<8x256xf32>
      %jit3A_89 = arith.constant 256 : i32
      %broadcast_in_dim3A_90 = vector.broadcast %jit3A_89 : i32 to vector<8x256xi32>
      %select_n3A_91 = arith.select %eq3A_88, %iota3A, %broadcast_in_dim3A_90 : vector<8x256xi1>, vector<8x256xi32>
      %reduce_min3A = arith.constant dense<2147483647> : vector<8xi32>
      %reduce_min3A_92 = vector.multi_reduction <minsi>, %select_n3A_91, %reduce_min3A [1] : vector<8x256xi32> to vector<8xi32>
      %broadcast_in_dim3A_93 = vector.shape_cast %reduce_min3A_92 : vector<8xi32> to vector<8x1xi32>
      scf.yield %min3A, %broadcast_in_dim3A_93, %select_n3A_67, %select_n3A_70, %select_n3A_73, %select_n3A_76 : vector<8x256xf32>, vector<8x1xi32>, vector<8x128xi32>, vector<8x128xf32>, vector<8x128xf32>, vector<8x128xf32>
    }
    %scan3A_28 = arith.constant 128 : i32
    %swap3A = arith.constant 0 : index
    %swap3A_29 = arith.constant 0 : index
    %swap3A_30 = vector.load %arg1[%swap3A, %swap3A_29] : memref<8x128xi32, #tpu.memory_space<vmem>>, vector<8x128xi32>
    tpu.vector_store %arg1[%swap3A, %swap3A_29], %scan3A_27#2 {strides = array<i32>} : memref<8x128xi32, #tpu.memory_space<vmem>>, vector<8x128xi32>,
    %swap3A_31 = arith.constant 0 : index
    %swap3A_32 = arith.constant 0 : index
    %swap3A_33 = vector.load %arg2[%swap3A_31, %swap3A_32] : memref<8x128xf32, #tpu.memory_space<vmem>>, vector<8x128xf32>
    tpu.vector_store %arg2[%swap3A_31, %swap3A_32], %scan3A_27#3 {strides = array<i32>} : memref<8x128xf32, #tpu.memory_space<vmem>>, vector<8x128xf32>,
    %swap3A_34 = arith.constant 0 : index
    %swap3A_35 = arith.constant 0 : index
    %swap3A_36 = vector.load %arg3[%swap3A_34, %swap3A_35] : memref<8x128xf32, #tpu.memory_space<vmem>>, vector<8x128xf32>
    tpu.vector_store %arg3[%swap3A_34, %swap3A_35], %scan3A_27#4 {strides = array<i32>} : memref<8x128xf32, #tpu.memory_space<vmem>>, vector<8x128xf32>,
    %swap3A_37 = arith.constant 0 : index
    %swap3A_38 = arith.constant 0 : index
    %swap3A_39 = vector.load %arg4[%swap3A_37, %swap3A_38] : memref<8x128xf32, #tpu.memory_space<vmem>>, vector<8x128xf32>
    tpu.vector_store %arg4[%swap3A_37, %swap3A_38], %scan3A_27#5 {strides = array<i32>} : memref<8x128xf32, #tpu.memory_space<vmem>>, vector<8x128xf32>,
    return
  }
}

module attributes {stable_mosaic.version = 14 : i64} {
  func.func @_ident_kernel(%arg0: memref<8x128x2048xf32, #tpu.memory_space<vmem>>, %arg1: memref<8x128x2048xf32, #tpu.memory_space<vmem>>) attributes {dimension_semantics = [], scalar_prefetch = 0 : i64, scratch_operands = 0 : i64, tpu.core_type = #tpu.core_type<tc>} {
    %get3A = arith.constant 0 : index
    %get3A_0 = arith.constant 0 : index
    %get3A_1 = arith.constant 0 : index
    %get3A_2 = vector.load %arg0[%get3A, %get3A_0, %get3A_1] : memref<8x128x2048xf32, #tpu.memory_space<vmem>>, vector<8x128x2048xf32>
    %swap3A = arith.constant 0 : index
    %swap3A_3 = arith.constant 0 : index
    %swap3A_4 = arith.constant 0 : index
    %swap3A_5 = vector.load %arg1[%swap3A, %swap3A_3, %swap3A_4] : memref<8x128x2048xf32, #tpu.memory_space<vmem>>, vector<8x128x2048xf32>
    tpu.vector_store %arg1[%swap3A, %swap3A_3, %swap3A_4], %get3A_2 {strides = array<i32>} : memref<8x128x2048xf32, #tpu.memory_space<vmem>>, vector<8x128x2048xf32>,
    return
  }
}

</mosaic_0001>

<sc_bundles>
// kernel: sparse-core-data-format-call.cloned.1.call-start
scs
called_computation_lowered:
.L_overlay_start_0:
0x0: {  	s1 =	sld [smem:$0x3FD9]  }
0x1: {  	s2 =	sld [smem:$0x3FFE];
	_ =	sdelay $0x1  }
0x2: {  	s3 =	srdreg.scid  }
0x3: {  	s0 =	sand.u32 $0x1, s3  }
0x4: {  	s17 =	sshll.u32 s0, $0xA;
	s1 =	sadd.s32 s2, s1  }
0x5: {  	s1 =	sadd.s32 s1, s17  }
0x6: {  	[smem:$0x3F9F] =	sst s1  }
0x7: {  	_ = 	snop  }
0x8: {  	(tm) =	ssettm $0x1  }
0x9: {  	s18 =	sld [smem:$0x3FFB];
	_ =	sdelay $0x3  }
0xa: {  	_ =	strace s18  }
0xb: {  	s1 =	sld [smem:$0x3FFC];
	_ =	sdelay $0x3  }
0xc: {  	_ =	strace s1  }
0xd: {  	s1 =	sld [smem:$0x3FFD];
	_ =	sdelay $0x3  }
0xe: {  	_ =	strace s1  }
0xf: {  	_ =	strace $0x8FFFFFFF  }
0x10: {  	s19 =	sld [smem:$0x3FDB];
	_ =	sdelay $0x1  }
0x11: {  	s20 =	simm.s32 $_scs_section_size  }
0x12: {  	s4 =	simm.s32 $_size__tile_overlayer_lowered;
	s5 =	simm.s32 $_tile_overlayer_lowered  }
0x13: {  	s23 =	simm.s32 $0x1BFF;
	s22 =	sshll.u32 s5, $0x1;
	s1 =	sadd.s32 s20, s19  }
0x14: {  	s6 =	simm.s32 $0x0;
	s21 =	sshll.u32 s4, $0x1;
	s4 =	sadd.s32 s22, s1  }
0x15: {  	[timem:s6], [sflag:s23] =	dma.local [hbm:s4], s21  }
0x16: {  	_ =	swait.ge [sflag:s23], s21  }
0x17: {  	s2 =	ssub.s32 $0x0, s21;
	[sflag:s23] =	ssyncset.done $0x0  }
0x18: {  	[sflag:s23] =	ssyncadd.s32 s2;
	_ =	sdelay $0x1  }
0x19: {  	s24 =	simm.s32 $0x1B8B  }
0x1a: {  	_ =	swait.ge [sflag:s24], $0x1  }
0x1b: {  	[sflag:s24] =	ssyncset.done $0x0  }
0x1c: {  	s26 =	simm.s32 $0x1B8E;
	s25 =	sld [smem:$0x3FFE];
	[sflag:s24] =	ssyncadd.s32 $0xFFFFFFFF  }
0x1d: {  	s27 =	simm.s32 $execute0_lowered;
	[smem:$0x3FD2] =	sst s26  }
0x1e: {  	s4 =	sshll.u32 s27, $0x1;
	_ =	strace $0x80000046;
	[dreg:$0x1] =	wrdreg $0xFFFFFFFF  }
0x1f: {  	s28 =	simm.s32 $_size_execute0_lowered;
	s1 =	sadd.s32 s1, s4;
	[dreg:$0x0] =	wrdreg $0x0  }
0x20: {  	s4 =	sshll.u32 s28, $0x1;
	[dreg:$0x2] =	wrdreg s1  }
0x21: {  	[dreg:$0x3] =	wrdreg s4  }
0x22: {  	[dreg:$0x4] =	wrdreg $0xC0  }
0x23: {  	_ =	task [dreg:s6], $0x5FFFF  }
0x24: {  	[dreg:$0x1] =	wrdreg $0xFFFFFFFF  }
0x25: {  	[dreg:$0x0] =	wrdreg $0x60  }
0x26: {  	[dreg:$0x2] =	wrdreg s25  }
0x27: {  	[dreg:$0x3] =	wrdreg $0x9  }
0x28: {  	_ =	task.clear_ibuf [dreg:s6], $0x4FFFF;
	_ =	strace $0x90000046  }
0x29: {  	s29 =	simm.s32 $0x9;
	_ =	strace $0x80000048  }
0x2a: {  	_ =	swait.ge [sflag:s29], $0x1  }
0x2b: {  	[sflag:s29] =	ssyncadd.s32 $0xFFFFFFFF  }
0x2c: {  	_ =	strace $0x90000048  }
0x2d: {  	_ =	sfence  }
0x2e: {  	s30 =	sld [smem:$0x0];
	_ =	sdelay $0x2  }
0x2f: {  	s31 =	sshll.u32 s3, $0xD;
	s3 =	sshrl.u32 s3, $0x2  }
0x30: {  	s2 =	sand.u32 $0x4000, s31;
	s1 =	sadd.s32 s3, s30  }
0x31: {  	s0 =	sor.u32 s2, s0;
	s1 =	sshll.u32 s1, $0x11  }
0x32: {  	s0 =	sor.u32 s1, s0  }
0x33: {  	s0 =	sadd.s32 $0x8F2B, s0  }
0x34: {  	[sflag:s0] =	ssyncadd.remote.s32 $0x1  }
0x35: {  	_ =	sfence.sel $0xFFFF  }
0x36: {  	[dreg:$0x0] =	wrdreg $0xFFFFFFFF;
	(pc) =	sbr.abs _section_cstart, $3  }
0x37: {  	[dreg:$0x1] =	wrdreg $0xFFFFFFFF  }
0x38: {  	_ =	task.clear_ibuf [dreg:s6], $0x2FFFF;
	_ =	strace $0x9FFFFFFF  }
0x39: {  	(tm) =	ssettm $0x7FFFFFFF  }
tec
execute0_lowered:
.L_overlay_start_1:
0x0: {  	(tag) =	ssettag $0x1  }
0x1: {  	s0 =	stileid.u32;
	s1 =	srdreg.scid  }
0x2: {  	s8 =	rddreg [dreg:$0x0];
	s7 =	simm.s32 $0x1;
	s6 =	simm.s32 $0x1  }
0x3: {  	s31 =	simm.s32 $0x2;
	s19 =	simm.s32 $0x0;
	s10 =	simm.s32 $0x800  }
0x4: {  	s17 =	simm.s32 $0x0;
	s2 =	sshll.u32 s0, $0x4;
	s1 =	sshll.u32 s1, $0x8  }
0x5: {  	s16 =	simm.s32 $0x0;
	s18 =	simm.s32 $0x0;
	s1 =	sor.u32 s2, s1  }
0x6: {  	s11 =	simm.s32 $0x0;
	s12 =	simm.s32 $0x0;
	s2 =	sand.u32 $0x180, s1  }
0x7: {  	s15 =	simm.s32 $0x0;
	s3 =	sadd.s32 $0x28000, s8;
	s5 =	ssub.s32 $0x200, s2  }
0x8: {  	s1 =	rddreg [dreg:$0x1];
	_ =	strace $0x80000047;
	s4 =	sand.u32 $0x180, s5  }
.Ltmp0:
0x9: {  	[sflag:s6] =	ssyncpa.u1 $0x0;
	p0 =	sne.s32 s4, $0x0;
	(pc) =	sbr.rel .LBB1_1-.Ltmp0, $4  }
0xa: {  	s13 =	smov.u32 s2;
	s9 =	sshrl.u32 s5, $0x9;
	s7 =	simm.s32 @!p0 $0x0  }
0xb: {  	s5 =	sand.u32 $0x7, s0;
	[sflag:s31] =	ssyncpa.u1 $0x0;
	s7 =	sadd.s32 s7, s9  }
0xc: {  	s4 =	sadd.s32 $0x408000, s8;
	s8 =	sadd.s32 $0x40A000, s8;
	s7 =	sshll.u32 s7, $0x4  }
0xd: {  	s14 =	smov.u32 s5;
	p0 =	por $0x0, $0x0;
	s9 =	sor.u32 $0x1, s7  }
.LBB1_4:
0xe: {  	v11 =	vld [tilespmem:s24+$0xFFFFFFE0];
	v12 =	vcombine.low v6, v7  }
0xf: {  	v3 =	vperm.xlane.i2c.b16 v3;
	[tilespmem:s25+$0x3870 ss:$0x81] =	vst.msk $0xffff, v9;
	v46 =	vld [tilespmem:s24+$0xFFFFFFF0];
	v4 =	vperm.xlane.i2c.b16 v4  }
0x10: {  	v47 =	vcombine.high v6, v7;
	[tilespmem:s23+$0x2040 ss:$0x81] =	vst.msk $0xffff, v10;
	v48 =	vld [tilespmem:s24+$0x0];
	v5 =	vperm.xlane.i2c.b16 v5  }
0x11: {  	v50 =	vld [tilespmem:s24+$0x10];
	v2 =	vperm.xlane.i2c.b16 v2;
	[tilespmem:s25+$0x810 ss:$0x81] =	vst.msk $0xffff, v12;
	v49 =	vcombine.low v8, v3  }
0x12: {  	v52 =	vld [tilespmem:s24+$0xFFFFFFC0];
	v1 =	vperm.xlane.i2c.b16 v1;
	v51 =	vcombine.low v4, v0;
	[tilespmem:s25+$0x2850 ss:$0x81] =	vst.msk $0xffff, v47  }
0x13: {  	s28 =	sshra.s32 s26, $0x2;
	v3 =	vcombine.high v8, v3;
	v53 =	vcombine.low v2, v5;
	[tilespmem:s25+$0x1020 ss:$0x81] =	vst.msk $0xffff, v49  }
0x14: {  	s22 =	sadd.s32 s28, s22;
	v2 =	vcombine.high v2, v5;
	v56 =	vcombine.high v4, v0;
	[tilespmem:s25+$0x0 ss:$0x81] =	vst.msk $0xffff, v51  }
0x15: {  	[tilespmem:s22+$0x1830 ss:$0x81] =	vst.msk $0xffff, v53;
	v11 =	vperm.xlane.i2c.b16 v11;
	v54 =	vperm.xlane.i2c.b16 v46  }
0x16: {  	s29 =	sshll.u32 s19, $0x9;
	s30 =	sshll.u32 s16, $0x3;
	s31 =	sshll.u32 s19, $0x7;
	[tilespmem:s25+$0x3060 ss:$0x81] =	vst.msk $0xffff, v3;
	v55 =	vperm.xlane.i2c.b16 v48;
	v58 =	vperm.xlane.i2c.b16 v50  }
0x17: {  	s26 =	sshll.u32 s16, $0x1;
	s18 =	sshll.u32 s18, $0x11;
	s17 =	sshll.u32 s17, $0xD;
	[tilespmem:s22+$0x3870 ss:$0x81] =	vst.msk $0xffff, v2;
	v60 =	vperm.xlane.i2c.b16 v52;
	v57 =	vcombine.low v11, v54  }
0x18: {  	s23 =	sand.u32 $0x1F000, s29;
	s24 =	sand.u32 $0x1FC00, s30;
	s27 =	sand.u32 $0xF0, s26;
	[tilespmem:s25+$0x2040 ss:$0x81] =	vst.msk $0xffff, v56;
	v61 =	vcombine.low v55, v58  }
0x19: {  	s19 =	sand.u32 $0x100, s31;
	s28 =	sadd.s32 s18, s17;
	s29 =	sand.u32 $0x7, s16;
	v63 =	vcombine.low v60, v1;
	[tilespmem:s22+$0x810 ss:$0x81] =	vst.msk $0xffff, v57  }
0x1a: {  	s18 =	sadd.s32 s18, s8;
	s23 =	sadd.s32 s24, s23;
	s25 =	sand.u32 $0x200, s31;
	v59 =	vcombine.high v11, v54;
	[tilespmem:s22+$0x1020 ss:$0x81] =	vst.msk $0xffff, v61  }
0x1b: {  	s19 =	sor.u32 s27, s19;
	s24 =	sadd.s32 s4, s28;
	s23 =	sor.u32 s25, s23;
	v62 =	vcombine.high v55, v58;
	[tilespmem:s22+$0x0 ss:$0x81] =	vst.msk $0xffff, v63  }
0x1c: {  	s16 =	sshll.u32 s29, $0x12;
	s19 =	sshrl.u32 s19, $0x4;
	s23 =	sshrl.u32 s23, $0x4;
	v0 =	vcombine.high v60, v1;
	[tilespmem:s22+$0x2850 ss:$0x81] =	vst.msk $0xffff, v59  }
0x1d: {  	s17 =	sadd.s32 s17, s18;
	s24 =	sadd.s32 s19, s24;
	s23 =	sand.u32 $0x1FE0, s23;
	[tilespmem:s22+$0x3060 ss:$0x81] =	vst.msk $0xffff, v62  }
0x1e: {  	s16 =	sor.u32 $0x200, s16;
	s17 =	sadd.s32 s19, s17;
	s30 =	sadd.s32 s23, s24;
	[tilespmem:s22+$0x2040 ss:$0x81] =	vst.msk $0xffff, v0  }
0x1f: {  	[hbm4b:s30+s16] =	stream.strided.scatter [tilespmem:s21], [sflag:$0x2], $0x2000, s10, s16, $0x20;
	[tilespmem:$0x10100] =	vst v63  }
0x20: {  	s31 =	sadd.s32 $0xA040, s20;
	s17 =	sadd.s32 s23, s17  }
0x21: {  	[hbm4b:s17+s16] =	stream.strided.scatter [tilespmem:s31], [sflag:$0x2], $0x2000, s10, s16, $0x20;
	[tilespmem:$0x10100] =	vst v63  }
.LBB1_5:
0x22: {  	s20 =	sadd.s32 $0x80, s11  }
0x23: {  	s16 =	sadd.s32 $0x2, s12;
	s21 =	smov.u32 s12;
	p2 =	sgt.s32 s20, $0xFF  }
0x24: {  	s21 =	smov.u32 @p2 s16  }
0x25: {  	s22 =	smov.u32 s13;
	s16 =	sadd.s32 $0x200, s13;
	p3 =	sgt.s32 s21, $0xF  }
0x26: {  	s22 =	smov.u32 @p3 s16  }
0x27: {  	s23 =	smov.u32 s14;
	s16 =	sadd.s32 $0x8, s14;
	p4 =	sgt.s32 s22, $0x1FF  }
0x28: {  	p1 =	slt.u32 s15, $0x2;
	s23 =	smov.u32 @p4 s16  }
0x29: {  	s19 =	smov.u32 s11;
	s20 =	simm.s32 @p2 $0x0;
	p2 =	sgt.s32 s23, $0x7  }
0x2a: {  	s24 =	simm.s32 @!p1 $0x2;
	s23 =	smov.u32 @p2 s5;
	p2 =	sne.s32 s15, s9  }
.Ltmp1:
0x2b: {  	s17 =	smov.u32 s12;
	_ =	swait.ge @!p1 [sflag:s24], $0x4000;
	(pc) =	sbr.rel @!p2 .LBB1_6-.Ltmp1, $4  }
0x2c: {  	s18 =	smov.u32 s14;
	p0 =	por !p0, !p0;
	[sflag:s24] =	ssyncset.done @!p1 $0x0  }
0x2d: {  	s11 =	smov.u32 s20;
	s21 =	simm.s32 @p3 $0x0;
	[sflag:s24] =	ssyncadd.s32 @!p1 $0xFFFFC000  }
0x2e: {  	s12 =	smov.u32 s21;
	s22 =	smov.u32 @p4 s2;
	s16 =	smov.u32 s13  }
0x2f: {  	s13 =	smov.u32 s22;
	s15 =	sadd.s32 $0x1, s15;
	s14 =	smov.u32 s23  }
.LBB1_1:
0x30: {  	p1 =	sge.u32 s15, s7  }
0x31: {  	s20 =	sshll.u32 @!p1 s12, $0x8;
	s21 =	sshll.u32 @!p1 s11, $0x3  }
0x32: {  	s22 =	sshll.u32 @!p1 s12, $0x7;
	s20 =	sand.u32 @!p1 $0x800, s20;
	s21 =	sand.u32 @!p1 $0xC00, s21  }
0x33: {  	s31 =	sadd.s32 $0xFFFFFFFF, s15;
	s20 =	sadd.s32 @!p1 s20, s21;
	s21 =	sand.u32 @!p1 $0x300, s22  }
0x34: {  	s24 =	sshrl.u32 @!p1 s11, $0x3;
	s20 =	sor.u32 @!p1 s21, s20;
	s21 =	sshll.u32 @!p1 s14, $0x11  }
0x35: {  	s23 =	sshll.u32 @!p1 s13, $0x8;
	s24 =	sand.u32 @!p1 $0xF, s24;
	s21 =	sadd.s32 @!p1 s3, s21  }
0x36: {  	s22 =	sxor.u32 @!p1 $0xFFFFFFFF, s15;
	s20 =	sshrl.u32 @!p1 s20, $0x4;
	s21 =	sadd.s32 @!p1 s23, s21  }
0x37: {  	s20 =	sand.u32 @!p1 $0xF0, s20;
	s23 =	sand.u32 @!p1 $0x7, s11;
	s21 =	sadd.s32 @!p1 s24, s21  }
0x38: {  	s20 =	sadd.s32 @!p1 s20, s21;
	s21 =	sshll.u32 @!p1 s22, $0xE;
	s22 =	sshll.u32 @!p1 s23, $0x12  }
0x39: {  	s23 =	simm.s32 @!p1 $0x800;
	s21 =	sand.u32 @!p1 $0x4000, s21;
	s22 =	sor.u32 @!p1 $0x80, s22  }
0x3a: {  	[tilespmem:s21], [sflag:$0x1] =	stream.strided.gather @!p1 [hbm4b:s20+s22], $0x4000, s23, s22, $0x38;
	[tilespmem:$0x10100] =	vst v63  }
0x3b: {  	p1 =	sge.u32 s31, s7  }
.Ltmp2:
0x3c: {  	_ = 	snop;
	(pc) =	sbr.rel @p1 .LBB1_5-.Ltmp2, $1  }
0x3d: {  	_ =	sdelay $0x3  }
0x3e: {  	s20 =	simm.s32 $0x1  }
0x3f: {  	_ =	swait.ge [sflag:s6], $0x4000;
	s20 =	simm.s32 @!p0 $0x0  }
0x40: {  	[sflag:s6] =	ssyncset.done $0x0;
	s21 =	sshll.u32 s20, $0xE  }
0x41: {  	[sflag:s6] =	ssyncadd.s32 $0xFFFFC000;
	s21 =	sor.u32 $0x40, s21  }
0x42: {  	v0 =	vld [tilespmem:s21+$0x20]  }
0x43: {  	v1 =	vld [tilespmem:s21+$0x30]  }
0x44: {  	v2 =	vld [tilespmem:s21+$0xFFFFFFD0]  }
0x45: {  	v3 =	vld [tilespmem:s21+$0xFFFFFFE0]  }
0x46: {  	v4 =	vld [tilespmem:s21+$0xFFFFFFF0]  }
0x47: {  	v5 =	vld [tilespmem:s21+$0x0]  }
0x48: {  	v6 =	vld [tilespmem:s21+$0x10];
	_ =	sdelay $0x1  }
0x49: {  	s20 =	smul.u32 $0x10200, s20;
	v1 =	vperm.xlane.i2c.b16 v1;
	v0 =	vperm.xlane.i2c.b16 v0  }
0x4a: {  	v7 =	vld [tilespmem:s21+$0xFFFFFFC0];
	s21 =	sadd.s32 $0x80, s21;
	v10 =	vperm.xlane.i2c.b16 v2;
	v3 =	vperm.xlane.i2c.b16 v3  }
0x4b: {  	s20 =	sshrl.u32 s20, $0x2;
	v9 =	vld [tilespmem:s21+$0x30];
	v4 =	vperm.xlane.i2c.b16 v4;
	v5 =	vperm.xlane.i2c.b16 v5  }
0x4c: {  	s22 =	sor.u32 $0x8000, s20;
	v2 =	vld [tilespmem:s21+$0x20];
	v6 =	vperm.xlane.i2c.b16 v6;
	v8 =	vcombine.low v0, v1  }
0x4d: {  	s23 =	sadd.s32 $0x0, s22;
	v0 =	vcombine.high v0, v1;
	v1 =	vld [tilespmem:s21+$0xFFFFFFD0];
	v11 =	vcombine.low v3, v4  }
0x4e: {  	v12 =	vld [tilespmem:s21+$0xFFFFFFF0];
	[tilespmem:s23+$0x1830 ss:$0x81] =	vst.msk $0xffff, v8  }
0x4f: {  	v13 =	vperm.xlane.i2c.b16 v7;
	v7 =	vcombine.low v5, v6;
	v8 =	vld [tilespmem:s21+$0xFFFFFFE0];
	[tilespmem:s23+$0x810 ss:$0x81] =	vst.msk $0xffff, v11  }
0x50: {  	v14 =	vld [tilespmem:s21+$0x0];
	v9 =	vperm.xlane.i2c.b16 v9;
	[tilespmem:s23+$0x3870 ss:$0x81] =	vst.msk $0xffff, v0;
	v0 =	vcombine.high v3, v4  }
0x51: {  	s31 =	sand.u32 $0x1, s15;
	v5 =	vcombine.high v5, v6;
	[tilespmem:s23+$0x1020 ss:$0x81] =	vst.msk $0xffff, v7;
	v3 =	vld [tilespmem:s21+$0x10];
	v11 =	vperm.xlane.i2c.b16 v2  }
0x52: {  	s20 =	smul.u32 $0x10200, s31;
	s24 =	sadd.s32 $0x80, s21;
	v4 =	vld [tilespmem:s21+$0xFFFFFFC0];
	[tilespmem:s23+$0x2850 ss:$0x81] =	vst.msk $0xffff, v0;
	v0 =	vperm.xlane.i2c.b16 v1;
	v1 =	vcombine.low v13, v10  }
0x53: {  	v7 =	vperm.xlane.i2c.b16 v12;
	v2 =	vld [tilespmem:s24+$0x20];
	[tilespmem:s23+$0x3060 ss:$0x81] =	vst.msk $0xffff, v5;
	v15 =	vcombine.low v11, v9  }
0x54: {  	s25 =	sadd.s32 $0x1, s22;
	s20 =	sshrl.u32 s20, $0x2;
	v5 =	vld [tilespmem:s24+$0x30];
	v9 =	vcombine.high v11, v9;
	v6 =	vperm.xlane.i2c.b16 v8;
	[tilespmem:s23+$0x0 ss:$0x81] =	vst.msk $0xffff, v1  }
0x55: {  	s26 =	simm.s32 $0x8;
	s27 =	simm.s32 $0xC;
	s21 =	sor.u32 $0x8000, s20;
	v10 =	vcombine.high v13, v10;
	v1 =	vld [tilespmem:s24+$0xFFFFFFD0];
	v8 =	vperm.xlane.i2c.b16 v14;
	[tilespmem:s25+$0x1830 ss:$0x81] =	vst.msk $0xffff, v15  }
.LBB1_3:
0x56: {  	p1 =	sne.s32 s27, $0x1FC;
	v11 =	vld [tilespmem:s24+$0xFFFFFFE0];
	v12 =	vcombine.low v6, v7;
	v3 =	vperm.xlane.i2c.b16 v3;
	[tilespmem:s25+$0x3870 ss:$0x81] =	vst.msk $0xffff, v9  }
0x57: {  	v13 =	vperm.xlane.i2c.b16 v4;
	v4 =	vcombine.high v6, v7;
	v9 =	vld [tilespmem:s24+$0xFFFFFFF0];
	[tilespmem:s23+$0x2040 ss:$0x81] =	vst.msk $0xffff, v10;
	s23 =	smov.u32 s25  }
0x58: {  	v10 =	vld [tilespmem:s24+$0x0];
	[tilespmem:s23+$0x810 ss:$0x81] =	vst.msk $0xffff, v12;
	v6 =	vcombine.low v8, v3;
	v7 =	vcombine.high v8, v3  }
.Ltmp3:
0x59: {  	v8 =	vperm.xlane.i2c.b16 v5;
	v12 =	vperm.xlane.i2c.b16 v2;
	v3 =	vld [tilespmem:s24+$0x10];
	[tilespmem:s23+$0x2850 ss:$0x81] =	vst.msk $0xffff, v4;
	(pc) =	sbr.rel @p1 .LBB1_3-.Ltmp3, $4  }
0x5a: {  	v14 =	vperm.xlane.i2c.b16 v1;
	v1 =	vcombine.low v13, v0;
	v4 =	vld [tilespmem:s24+$0xFFFFFFC0];
	s24 =	sadd.s32 $0x80, s24;
	[tilespmem:s23+$0x1020 ss:$0x81] =	vst.msk $0xffff, v6  }
0x5b: {  	s25 =	sshra.s32 s26, $0x2;
	s26 =	smov.u32 s27;
	v2 =	vld [tilespmem:s24+$0x20];
	v6 =	vperm.xlane.i2c.b16 v11;
	v11 =	vcombine.low v12, v8;
	[tilespmem:s23+$0x3060 ss:$0x81] =	vst.msk $0xffff, v7  }
0x5c: {  	s25 =	sadd.s32 s25, s22;
	v5 =	vld [tilespmem:s24+$0x30];
	v7 =	vperm.xlane.i2c.b16 v9;
	v9 =	vcombine.high v12, v8;
	[tilespmem:s23+$0x0 ss:$0x81] =	vst.msk $0xffff, v1  }
0x5d: {  	s27 =	sadd.s32 $0x4, s27;
	v1 =	vld [tilespmem:s24+$0xFFFFFFD0];
	v8 =	vperm.xlane.i2c.b16 v10;
	[tilespmem:s25+$0x1830 ss:$0x81] =	vst.msk $0xffff, v11;
	v10 =	vcombine.high v13, v0;
	v0 =	vmov v14  }
.Ltmp4:
0x5e: {  	_ = 	snop;
	(pc) =	sbr.rel .LBB1_4-.Ltmp4, $1  }
0x5f: {  	_ =	sdelay $0x3  }
.LBB1_6:
0x60: {  	_ =	sfence.sel $0x180000  }
0x61: {  	s2 =	simm.s32 $0x1;
	[bflag:$0x0] =	sbarrier.arrive $0xFFFF  }
0x62: {  	s31 =	simm.s32 $0x2;
	[sflag:s2] =	ssyncpa.u1 $0x1  }
0x63: {  	[sflag:s31] =	ssyncpa.u1 $0x1  }
0x64: {  	p0 =	sne.s32 s0, $0x0;
	_ =	strace $0x90000047  }
0x65: {  	s0 =	sadd.s32 @!p0 $0x100000, s1;
	[bflag:$0x2] =	sbarrier.arrive $0xFFFF  }
0x66: {  	[sflag:s0] =	ssyncadd.tile.s32 @!p0 $0x1;
	_ =	shalt  }
.Lfunc_end1:
_tile_overlayer_lowered:
.L_overlay_start_2:
0x67: {  	(tag) =	ssettag $0x2  }
0x68: {  	s0 =	rddreg [dreg:$0x0];
	s2 =	stileid.u32  }
0x69: {  	s1 =	rddreg [dreg:$0x1];
	p0 =	sne.s32 s2, $0x0  }
0x6a: {  	s3 =	rddreg [dreg:$0x2];
	[bflag:$0x3] =	sbarrier.arrive $0xFFFF;
	s2 =	simm.s32 @!p0 $0x1C01  }
0x6b: {  	[timem:s3], [sflag:s2] =	dma.local @!p0 [hbm:s0], s1  }
0x6c: {  	s0 =	simm.s32 @!p0 $0x1  }
0x6d: {  	_ =	swait.ge @!p0 [sflag:s0], s1  }
0x6e: {  	s1 =	ssub.s32 @!p0 $0x0, s1;
	[sflag:s0] =	ssyncset.done @!p0 $0x0  }
0x6f: {  	[sflag:s0] =	ssyncadd.s32 @!p0 s1  }
0x70: {  	[bflag:$0x3] =	sbarrier.arrive $0xFFFF  }
0x71: {  	_ =	shalt  }

</sc_bundles>
